<compile_context>
chip_gen: v7x
topology: tpu7x:2x2x1
jax: 0.10.2.dev20260603
libtpu: 0.0.44.dev20260713+nightly
codegen_flags: <defaults>
</compile_context>

<pallas_src>
import functools

import jax
import jax.numpy as jnp
from jax import lax
from jax.experimental import pallas as pl
from jax.experimental.pallas import tpu as pltpu
from jax.experimental.pallas import tpu_sc as plsc

_LN2 = 0.6931471805599453
_SQRT2 = 1.4142135623730951


def _ln_f32(q):
    b = plsc.bitcast(q, jnp.int32)
    e = (b >> 23) - 127
    m = plsc.bitcast((b & 0x007FFFFF) | 0x3F800000, jnp.float32)
    big = m > _SQRT2
    m = jnp.where(big, m * 0.5, m)
    ef = (e + big.astype(jnp.int32)).astype(jnp.float32)
    s = (m - 1.0) / (m + 1.0)
    s2 = s * s
    ln_m = 2.0 * s * (1.0 + s2 * (1.0 / 3.0 + s2 * (1.0 / 5.0 +
                      s2 * (1.0 / 7.0 + s2 * (1.0 / 9.0)))))
    return ef * _LN2 + ln_m


def _make_sc_kernel(N, K, CH):
    info = plsc.get_sparse_core_info()
    NC, NS, L = info.num_cores, info.num_subcores, info.num_lanes
    NW = NC * NS
    NCH = N // CH
    NF = NCH * CH
    TAIL = N - NF
    G = CH // L
    CMAX = max((NCH * (w + 1)) // NW - (NCH * w) // NW for w in range(NW))
    SMAX = (CMAX + 1) * CH

    mesh = plsc.VectorSubcoreMesh(core_axis_name="c", subcore_axis_name="s")

    @functools.partial(
        pl.kernel,
        mesh=mesh,
        compiler_params=pltpu.CompilerParams(
            needs_layout_passes=False,
            skip_device_barrier=True,
            disable_bounds_checks=True,
            disable_semaphore_checks=True,
        ),
        out_type=jax.ShapeDtypeStruct((NW, 4, L), jnp.float32),
        scratch_types=[
            pltpu.VMEM((NF + CH,), jnp.int32),
            pltpu.VMEM((2 * K, CH), jnp.int32),
            pltpu.VMEM((SMAX,), jnp.float32),
            pltpu.VMEM((SMAX,), jnp.float32),
            pltpu.VMEM((CH,), jnp.float32),
            pltpu.VMEM((CH,), jnp.float32),
            pltpu.VMEM((L,), jnp.float32),
            pltpu.VMEM((L,), jnp.float32),
            pltpu.VMEM((L,), jnp.float32),
            pltpu.VMEM((L,), jnp.float32),
            pltpu.SemaphoreType.DMA((2,)),
        ],
    )
    def sck(score_h, nidx_h, tidx_h, sw_h, tailn_h, tailsc_h, tailsw_h,
            tailtd_h, out_h, table_v, nbuf_v, sc_v, sw_v, tsc_v, tsw_v,
            o1_v, o2_v, o3_v, o4_v, sems):
        wid = lax.axis_index("s") * NC + lax.axis_index("c")
        c0 = (NCH * wid) // NW
        c1 = (NCH * (wid + 1)) // NW

        def _start(c, slot):
            pltpu.make_async_copy(
                nidx_h.at[:, pl.ds(c * CH, CH)],
                nbuf_v.at[pl.ds(slot * K, K), :],
                sems.at[slot],
            ).start()

        def _wait(c, slot):
            pltpu.make_async_copy(
                nidx_h.at[:, pl.ds(c * CH, CH)],
                nbuf_v.at[pl.ds(slot * K, K), :],
                sems.at[slot],
            ).wait()

        _start(c0, 0)
        pltpu.sync_copy(tidx_h.at[0, pl.ds(0, NF)], table_v.at[pl.ds(0, NF)])
        pltpu.sync_copy(tailtd_h.at[0, :], table_v.at[pl.ds(NF, CH)])
        start_s = jnp.minimum(c0 * CH, NF - SMAX)
        pltpu.sync_copy(score_h.at[0, pl.ds(start_s, SMAX)], sc_v)
        pltpu.sync_copy(sw_h.at[0, pl.ds(start_s, SMAX)], sw_v)

        zf = jnp.zeros((L,), jnp.float32)
        zi = jnp.zeros((L,), jnp.int32)

        def group(h0, row0, col0, accs, scale, sc_ref, sw_ref, soff):
            a1, a2, a3, a4 = accs
            own = table_v[pl.ds(h0, L)]

            def k_body(k, good):
                for u in range(8):
                    nbr = nbuf_v[row0 + k * 8 + u, pl.ds(col0, L)]
                    gv = plsc.load_gather(table_v, [nbr])
                    good = good + (gv == own).astype(jnp.int32)
                return good

            good = lax.fori_loop(0, K // 8, k_body, zi)
            ts = good * 10 > 9 * K
            p = jnp.clip(sc_ref[pl.ds(soff, L)], 1e-7, 1.0 - 1e-7)
            q = jnp.where(ts, p, 1.0 - p)
            lossv = -_ln_f32(q)
            sw = sw_ref[pl.ds(soff, L)]
            inn = (own >= 0).astype(jnp.float32)
            w1 = sw * inn
            w3 = 1.0 - inn
            if scale is not None:
                w1 = w1 * scale
                w3 = w3 * scale
            a1 = a1 + w1 * lossv
            a2 = a2 + w1
            a3 = a3 + w3 * lossv
            a4 = a4 + w3
            return (a1, a2, a3, a4)

        def chunk_body(i, accs):
            c = c0 + i
            slot = lax.rem(i, 2)

            @pl.when(c + 1 < c1)
            def _():
                _start(c + 1, 1 - slot)

            _wait(c, slot)
            row0 = slot * K

            def g_body(g, accs):
                h0 = c * CH + g * L
                return group(h0, row0, g * L, accs, None,
                             sc_v, sw_v, h0 - start_s)

            return lax.fori_loop(0, G, g_body, accs)

        accs = lax.fori_loop(0, c1 - c0, chunk_body, (zf, zf, zf, zf))

        if TAIL:
            pltpu.sync_copy(tailn_h, nbuf_v.at[pl.ds(0, K), :])
            pltpu.sync_copy(tailsc_h.at[0, :], tsc_v)
            pltpu.sync_copy(tailsw_h.at[0, :], tsw_v)
            isw = jnp.where(wid == NW - 1, 1.0, 0.0)
            for g in range(TAIL // L):
                accs = group(NF + g * L, 0, g * L, accs, isw,
                             tsc_v, tsw_v, g * L)

        a1, a2, a3, a4 = accs
        o1_v[...] = a1
        o2_v[...] = a2
        o3_v[...] = a3
        o4_v[...] = a4
        pltpu.sync_copy(o1_v, out_h.at[wid, 0])
        pltpu.sync_copy(o2_v, out_h.at[wid, 1])
        pltpu.sync_copy(o3_v, out_h.at[wid, 2])
        pltpu.sync_copy(o4_v, out_h.at[wid, 3])

    return sck


def kernel(score, nidx, tidxs, specweights):
    N, K = nidx.shape
    CH = 128
    NF = (N // CH) * CH
    TAIL = N - NF
    sck = _make_sc_kernel(N, K, CH)
    tail_n = jnp.zeros((K, CH), jnp.int32)
    tail_sc = jnp.zeros((1, CH), jnp.float32)
    tail_sw = jnp.zeros((1, CH), jnp.float32)
    tail_td = jnp.zeros((1, CH), jnp.int32)
    if TAIL:
        tail_n = tail_n.at[:, :TAIL].set(nidx[NF:, :].T)
        tail_sc = tail_sc.at[0, :TAIL].set(score[NF:, 0])
        tail_sw = tail_sw.at[0, :TAIL].set(specweights[NF:, 0])
        tail_td = tail_td.at[0, :TAIL].set(tidxs[NF:, 0])
    parts = sck(score.T, nidx.T, tidxs.T, specweights.T,
                tail_n, tail_sc, tail_sw, tail_td)
    s = jnp.sum(parts, axis=(0, 2))
    s1, s2, s3, s4 = s[0], s[1], s[2], s[3]
    obj = jnp.where(s2 == 0, 0.0, s1 / jnp.where(s2 == 0, 1.0, s2))
    noi = jnp.where(s4 == 0, 0.0, s3 / jnp.where(s4 == 0, 1.0, s4))
    return (score, obj + 0.1 * noi)

# --- scband reference (transcript-rebuilt; emitter-appended) ---
"""Pipeline reference for scband-llneighbourhood-classifier-49598282334783 (READ-ONLY COPY).

The authoritative reference and input builder live on the scoring server;
editing this copy changes nothing except your own understanding.
"""

import jax, jax.numpy as jnp
import numpy as np

N = 100000
K = 64


def setup_inputs(seed: int = 0) -> dict:
    key = jax.random.key(seed)
    k1, k2, k3 = jax.random.split(key, 3)
    score = jax.random.uniform(k1, (N, 1), dtype=jnp.float32)
    # nidx values in [0, N); tidxs all zeros so the self-consistency assert of the
    # original layer (tidxs == gathered_tidxs[:, 0:1]) holds for any valid nidx.
    nidx = jax.random.randint(k2, (N, K), 0, N, dtype=jnp.int32)
    tidxs = jnp.zeros((N, 1), dtype=jnp.int32)
    specweights = jax.random.uniform(k3, (N, 1), dtype=jnp.float32)
    return {"score": score, "nidx": nidx, "tidxs": tidxs, "specweights": specweights}


def _select_with_default(nidx, feat, default):
    # SelectWithDefault: gather feat rows by nidx, substituting `default` where nidx < 0
    safe = jnp.maximum(nidx, 0)
    g = jnp.take(feat, safe, axis=0)  # [N, K, F]
    return jnp.where(nidx[..., None] < 0, default, g)


def _div_no_nan(a, b):
    return jnp.where(b == 0, jnp.zeros_like(a), a / jnp.where(b == 0, jnp.ones_like(b), b))


def _raw_loss(score, nidx, tidxs, specweights):
    eps = 1e-7  # keras backend epsilon
    n_tidxs = _select_with_default(nidx, tidxs, -1)[:, :, 0]  # [N, K]
    n_tidxs = jnp.where(n_tidxs < 0, -10, n_tidxs)
    n_good = (n_tidxs == tidxs).astype(jnp.float32)  # tidxs [N,1] broadcasts
    n_active = jnp.where(nidx >= 0, jnp.ones_like(nidx, dtype=jnp.float32), 0.0)
    truthscore = _div_no_nan(jnp.sum(n_good, axis=1, keepdims=True),
                             jnp.sum(n_active, axis=1, keepdims=True))
    truthscore = jnp.where(truthscore > 0.9, 1.0, truthscore * 0.0)
    # keras binary_crossentropy (from_logits=False): clip probs, mean over last axis
    p = jnp.clip(score, eps, 1.0 - eps)
    bce = -(truthscore * jnp.log(p) + (1.0 - truthscore) * jnp.log(1.0 - p))
    lossval = jnp.mean(bce, axis=-1)  # [N]
    sw = specweights[:, 0]
    isnotnoise = (tidxs >= 0).astype(jnp.float32)[:, 0]
    obj_lossval = _div_no_nan(jnp.sum(sw * isnotnoise * lossval),
                              jnp.sum(sw * isnotnoise))
    noise_lossval = _div_no_nan(jnp.sum((1.0 - isnotnoise) * lossval),
                                jnp.sum(1.0 - isnotnoise))
    return obj_lossval + 0.1 * noise_lossval


def reference(score, nidx, tidxs, specweights):
    scale = 1.0
    lossval = scale * _raw_loss(score, nidx, tidxs, specweights)
    # return_lossval=True: layer returns (inputs[0], lossval)
    return (score, lossval)

if __name__ == "__main__":
    import jax
    _d = setup_inputs()
    print(jax.jit(kernel)(*tuple(_d.values())))

</pallas_src>

<mosaic_0001>
#map = affine_map<(d0, d1) -> (0, 0)>
#map1 = affine_map<(d0, d1) -> (0, 0, 0)>
module attributes {stable_mosaic.version = 14 : i64} {
  func.func @sck(%arg0: i32, %arg1: i32, %arg2: memref<1x100000xf32, #tpu.memory_space<hbm>>, %arg3: memref<64x100000xi32, #tpu.memory_space<hbm>>, %arg4: memref<1x100000xi32, #tpu.memory_space<hbm>>, %arg5: memref<1x100000xf32, #tpu.memory_space<hbm>>, %arg6: memref<64x128xi32, #tpu.memory_space<hbm>>, %arg7: memref<1x128xf32, #tpu.memory_space<hbm>>, %arg8: memref<1x128xf32, #tpu.memory_space<hbm>>, %arg9: memref<1x128xi32, #tpu.memory_space<hbm>>, %arg10: memref<32x4x16xf32, #tpu.memory_space<hbm>>, %arg11: memref<100096xi32, #tpu.memory_space<vmem>>, %arg12: memref<128x128xi32, #tpu.memory_space<vmem>>, %arg13: memref<3328xf32, #tpu.memory_space<vmem>>, %arg14: memref<3328xf32, #tpu.memory_space<vmem>>, %arg15: memref<128xf32, #tpu.memory_space<vmem>>, %arg16: memref<128xf32, #tpu.memory_space<vmem>>, %arg17: memref<16xf32, #tpu.memory_space<vmem>>, %arg18: memref<16xf32, #tpu.memory_space<vmem>>, %arg19: memref<16xf32, #tpu.memory_space<vmem>>, %arg20: memref<16xf32, #tpu.memory_space<vmem>>, %arg21: memref<2x!tpu.dma_semaphore, #tpu.memory_space<semaphore_mem>>) attributes {dimension_semantics = [#tpu.dimension_semantics<core_parallel>, #tpu.dimension_semantics<subcore_parallel>], iteration_bounds = array<i64: 2, 16>, scalar_prefetch = 0 : i64, scratch_operands = 11 : i64, tpu.core_type = #tpu.core_type<sc_vector_subcore>, window_params = [{transform_indices = #map}, {transform_indices = #map}, {transform_indices = #map}, {transform_indices = #map}, {transform_indices = #map}, {transform_indices = #map}, {transform_indices = #map}, {transform_indices = #map}, {transform_indices = #map1}]} {
    %mul3A = arith.constant 2 : i32
    %mul3A_0 = arith.muli %arg1, %mul3A : i32
    %add3A = arith.addi %mul3A_0, %arg0 : i32
    %mul3A_1 = arith.constant 781 : i32
    %mul3A_2 = arith.muli %mul3A_1, %add3A : i32
    %jit3A = arith.constant 32 : i32
    %div3A = arith.divsi %mul3A_2, %jit3A : i32
    %sign3A = arith.constant 0 : i32
    %sign3A_3 = arith.cmpi sgt, %mul3A_2, %sign3A : i32
    %sign3A_4 = arith.extui %sign3A_3 : i1 to i32
    %sign3A_5 = arith.constant 0 : i32
    %sign3A_6 = arith.cmpi slt, %mul3A_2, %sign3A_5 : i32
    %sign3A_7 = arith.extui %sign3A_6 : i1 to i32
    %sign3A_8 = arith.subi %sign3A_4, %sign3A_7 : i32
    %sign3A_9 = arith.constant 0 : i32
    %sign3A_10 = arith.cmpi sgt, %jit3A, %sign3A_9 : i32
    %sign3A_11 = arith.extui %sign3A_10 : i1 to i32
    %sign3A_12 = arith.constant 0 : i32
    %sign3A_13 = arith.cmpi slt, %jit3A, %sign3A_12 : i32
    %sign3A_14 = arith.extui %sign3A_13 : i1 to i32
    %sign3A_15 = arith.subi %sign3A_11, %sign3A_14 : i32
    %ne3A = arith.cmpi ne, %sign3A_8, %sign3A_15 : i32
    %rem3A = arith.remsi %mul3A_2, %jit3A : i32
    %ne3A_16 = arith.constant 0 : i32
    %ne3A_17 = arith.cmpi ne, %rem3A, %ne3A_16 : i32
    %and3A = arith.andi %ne3A, %ne3A_17 : i1
    %sub3A = arith.constant 1 : i32
    %sub3A_18 = arith.subi %div3A, %sub3A : i32
    %select_n3A = arith.select %and3A, %sub3A_18, %div3A : i32
    %add3A_19 = arith.constant 1 : i32
    %add3A_20 = arith.addi %add3A, %add3A_19 : i32
    %mul3A_21 = arith.constant 781 : i32
    %mul3A_22 = arith.muli %mul3A_21, %add3A_20 : i32
    %jit3A_23 = arith.constant 32 : i32
    %div3A_24 = arith.divsi %mul3A_22, %jit3A_23 : i32
    %sign3A_25 = arith.constant 0 : i32
    %sign3A_26 = arith.cmpi sgt, %mul3A_22, %sign3A_25 : i32
    %sign3A_27 = arith.extui %sign3A_26 : i1 to i32
    %sign3A_28 = arith.constant 0 : i32
    %sign3A_29 = arith.cmpi slt, %mul3A_22, %sign3A_28 : i32
    %sign3A_30 = arith.extui %sign3A_29 : i1 to i32
    %sign3A_31 = arith.subi %sign3A_27, %sign3A_30 : i32
    %sign3A_32 = arith.constant 0 : i32
    %sign3A_33 = arith.cmpi sgt, %jit3A_23, %sign3A_32 : i32
    %sign3A_34 = arith.extui %sign3A_33 : i1 to i32
    %sign3A_35 = arith.constant 0 : i32
    %sign3A_36 = arith.cmpi slt, %jit3A_23, %sign3A_35 : i32
    %sign3A_37 = arith.extui %sign3A_36 : i1 to i32
    %sign3A_38 = arith.subi %sign3A_34, %sign3A_37 : i32
    %ne3A_39 = arith.cmpi ne, %sign3A_31, %sign3A_38 : i32
    %rem3A_40 = arith.remsi %mul3A_22, %jit3A_23 : i32
    %ne3A_41 = arith.constant 0 : i32
    %ne3A_42 = arith.cmpi ne, %rem3A_40, %ne3A_41 : i32
    %and3A_43 = arith.andi %ne3A_39, %ne3A_42 : i1
    %sub3A_44 = arith.constant 1 : i32
    %sub3A_45 = arith.subi %div3A_24, %sub3A_44 : i32
    %select_n3A_46 = arith.select %and3A_43, %sub3A_45, %div3A_24 : i32
    %mul3A_47 = arith.constant 128 : i32
    %mul3A_48 = arith.muli %select_n3A, %mul3A_47 : i32
    %dma_start3A = arith.constant 0 : i32
    %dma_start3A_49 = arith.constant 0 : i32
    %dma_start3A_50 = arith.constant 0 : i32
    %dma_start3A_51 = tpu.memref_slice %arg12[%dma_start3A_49, %dma_start3A_50] : memref<128x128xi32, #tpu.memory_space<vmem>> -> memref<64x128xi32, #tpu.memory_space<vmem>>
    %dma_start3A_52 = arith.constant 0 : i32
    %dma_start3A_53 = tpu.memref_slice %arg3[%dma_start3A_52, %mul3A_48] : memref<64x100000xi32, #tpu.memory_space<hbm>> -> memref<64x128xi32, #tpu.memory_space<hbm>>
    %dma_start3A_54 = tpu.memref_slice %arg21[%dma_start3A] : memref<2x!tpu.dma_semaphore, #tpu.memory_space<semaphore_mem>> -> memref<1x!tpu.dma_semaphore, #tpu.memory_space<semaphore_mem>>
    %dma_start3A_55 = tpu.memref_squeeze %dma_start3A_54 : memref<1x!tpu.dma_semaphore, #tpu.memory_space<semaphore_mem>> -> memref<!tpu.dma_semaphore, #tpu.memory_space<semaphore_mem>>
    %dma_start3A_56 = arith.constant 0 : i32
    %dma_start3A_57 = arith.constant 0 : i32
    %dma_start3A_58 = tpu.memref_slice %arg12[%dma_start3A_56, %dma_start3A_57] : memref<128x128xi32, #tpu.memory_space<vmem>> -> memref<64x128xi32, #tpu.memory_space<vmem>>
    %dma_start3A_59 = arith.constant 0 : i32
    %dma_start3A_60 = tpu.memref_slice %arg3[%dma_start3A_59, %mul3A_48] : memref<64x100000xi32, #tpu.memory_space<hbm>> -> memref<64x128xi32, #tpu.memory_space<hbm>>
    tpu.enqueue_dma source(%dma_start3A_60 : memref<64x128xi32, #tpu.memory_space<hbm>>) target(%dma_start3A_58 : memref<64x128xi32, #tpu.memory_space<vmem>>) target_semaphore(%dma_start3A_55 : memref<!tpu.dma_semaphore, #tpu.memory_space<semaphore_mem>>)
    %run_scoped3A = arith.constant 0 : i32
    "tpu.region"() ({
      %run_scoped3A_304 = tpu.sem_alloc : memref<!tpu.dma_semaphore, #tpu.memory_space<semaphore_mem>>
      %dma_start3A_305 = arith.constant 0 : i32
      %dma_start3A_306 = tpu.memref_slice %arg11[%dma_start3A_305] : memref<100096xi32, #tpu.memory_space<vmem>> -> memref<99968xi32, #tpu.memory_space<vmem>>
      %dma_start3A_307 = arith.constant 0 : i32
      %dma_start3A_308 = tpu.memref_slice %arg4[%run_scoped3A, %dma_start3A_307] : memref<1x100000xi32, #tpu.memory_space<hbm>> -> memref<1x99968xi32, #tpu.memory_space<hbm>>
      %dma_start3A_309 = tpu.memref_squeeze %dma_start3A_308 : memref<1x99968xi32, #tpu.memory_space<hbm>> -> memref<99968xi32, #tpu.memory_space<hbm>>
      %dma_start3A_310 = arith.constant 0 : i32
      %dma_start3A_311 = tpu.memref_slice %arg11[%dma_start3A_310] : memref<100096xi32, #tpu.memory_space<vmem>> -> memref<99968xi32, #tpu.memory_space<vmem>>
      %dma_start3A_312 = arith.constant 0 : i32
      %dma_start3A_313 = tpu.memref_slice %arg4[%run_scoped3A, %dma_start3A_312] : memref<1x100000xi32, #tpu.memory_space<hbm>> -> memref<1x99968xi32, #tpu.memory_space<hbm>>
      %dma_start3A_314 = tpu.memref_squeeze %dma_start3A_313 : memref<1x99968xi32, #tpu.memory_space<hbm>> -> memref<99968xi32, #tpu.memory_space<hbm>>
      tpu.enqueue_dma source(%dma_start3A_314 : memref<99968xi32, #tpu.memory_space<hbm>>) target(%dma_start3A_311 : memref<99968xi32, #tpu.memory_space<vmem>>) target_semaphore(%run_scoped3A_304 : memref<!tpu.dma_semaphore, #tpu.memory_space<semaphore_mem>>)
      %dma_wait3A = arith.constant 0 : i32
      %dma_wait3A_315 = tpu.memref_slice %arg11[%dma_wait3A] : memref<100096xi32, #tpu.memory_space<vmem>> -> memref<99968xi32, #tpu.memory_space<vmem>>
      %dma_wait3A_316 = arith.constant 0 : i32
      %dma_wait3A_317 = tpu.memref_slice %arg4[%run_scoped3A, %dma_wait3A_316] : memref<1x100000xi32, #tpu.memory_space<hbm>> -> memref<1x99968xi32, #tpu.memory_space<hbm>>
      %dma_wait3A_318 = tpu.memref_squeeze %dma_wait3A_317 : memref<1x99968xi32, #tpu.memory_space<hbm>> -> memref<99968xi32, #tpu.memory_space<hbm>>
      %dma_wait3A_319 = arith.constant 0 : i32
      %dma_wait3A_320 = tpu.memref_slice %arg11[%dma_wait3A_319] : memref<100096xi32, #tpu.memory_space<vmem>> -> memref<99968xi32, #tpu.memory_space<vmem>>
      %dma_wait3A_321 = arith.constant 0 : i32
      %dma_wait3A_322 = tpu.memref_slice %arg4[%run_scoped3A, %dma_wait3A_321] : memref<1x100000xi32, #tpu.memory_space<hbm>> -> memref<1x99968xi32, #tpu.memory_space<hbm>>
      %dma_wait3A_323 = tpu.memref_squeeze %dma_wait3A_322 : memref<1x99968xi32, #tpu.memory_space<hbm>> -> memref<99968xi32, #tpu.memory_space<hbm>>
      tpu.wait_dma2 semaphore(%run_scoped3A_304 : memref<!tpu.dma_semaphore, #tpu.memory_space<semaphore_mem>>) src(%dma_wait3A_323 : memref<99968xi32, #tpu.memory_space<hbm>>) dst(%dma_wait3A_320 : memref<99968xi32, #tpu.memory_space<vmem>>)
      tpu.yield
    }) : () -> ()
    %run_scoped3A_61 = arith.constant 0 : i32
    "tpu.region"() ({
      %run_scoped3A_304 = tpu.sem_alloc : memref<!tpu.dma_semaphore, #tpu.memory_space<semaphore_mem>>
      %dma_start3A_305 = arith.constant 99968 : i32
      %dma_start3A_306 = tpu.memref_slice %arg11[%dma_start3A_305] : memref<100096xi32, #tpu.memory_space<vmem>> -> memref<128xi32, #tpu.memory_space<vmem>>
      %dma_start3A_307 = arith.constant 0 : i32
      %dma_start3A_308 = tpu.memref_slice %arg9[%run_scoped3A_61, %dma_start3A_307] : memref<1x128xi32, #tpu.memory_space<hbm>> -> memref<1x128xi32, #tpu.memory_space<hbm>>
      %dma_start3A_309 = tpu.memref_squeeze %dma_start3A_308 : memref<1x128xi32, #tpu.memory_space<hbm>> -> memref<128xi32, #tpu.memory_space<hbm>>
      %dma_start3A_310 = arith.constant 99968 : i32
      %dma_start3A_311 = tpu.memref_slice %arg11[%dma_start3A_310] : memref<100096xi32, #tpu.memory_space<vmem>> -> memref<128xi32, #tpu.memory_space<vmem>>
      %dma_start3A_312 = arith.constant 0 : i32
      %dma_start3A_313 = tpu.memref_slice %arg9[%run_scoped3A_61, %dma_start3A_312] : memref<1x128xi32, #tpu.memory_space<hbm>> -> memref<1x128xi32, #tpu.memory_space<hbm>>
      %dma_start3A_314 = tpu.memref_squeeze %dma_start3A_313 : memref<1x128xi32, #tpu.memory_space<hbm>> -> memref<128xi32, #tpu.memory_space<hbm>>
      tpu.enqueue_dma source(%dma_start3A_314 : memref<128xi32, #tpu.memory_space<hbm>>) target(%dma_start3A_311 : memref<128xi32, #tpu.memory_space<vmem>>) target_semaphore(%run_scoped3A_304 : memref<!tpu.dma_semaphore, #tpu.memory_space<semaphore_mem>>)
      %dma_wait3A = arith.constant 99968 : i32
      %dma_wait3A_315 = tpu.memref_slice %arg11[%dma_wait3A] : memref<100096xi32, #tpu.memory_space<vmem>> -> memref<128xi32, #tpu.memory_space<vmem>>
      %dma_wait3A_316 = arith.constant 0 : i32
      %dma_wait3A_317 = tpu.memref_slice %arg9[%run_scoped3A_61, %dma_wait3A_316] : memref<1x128xi32, #tpu.memory_space<hbm>> -> memref<1x128xi32, #tpu.memory_space<hbm>>
      %dma_wait3A_318 = tpu.memref_squeeze %dma_wait3A_317 : memref<1x128xi32, #tpu.memory_space<hbm>> -> memref<128xi32, #tpu.memory_space<hbm>>
      %dma_wait3A_319 = arith.constant 99968 : i32
      %dma_wait3A_320 = tpu.memref_slice %arg11[%dma_wait3A_319] : memref<100096xi32, #tpu.memory_space<vmem>> -> memref<128xi32, #tpu.memory_space<vmem>>
      %dma_wait3A_321 = arith.constant 0 : i32
      %dma_wait3A_322 = tpu.memref_slice %arg9[%run_scoped3A_61, %dma_wait3A_321] : memref<1x128xi32, #tpu.memory_space<hbm>> -> memref<1x128xi32, #tpu.memory_space<hbm>>
      %dma_wait3A_323 = tpu.memref_squeeze %dma_wait3A_322 : memref<1x128xi32, #tpu.memory_space<hbm>> -> memref<128xi32, #tpu.memory_space<hbm>>
      tpu.wait_dma2 semaphore(%run_scoped3A_304 : memref<!tpu.dma_semaphore, #tpu.memory_space<semaphore_mem>>) src(%dma_wait3A_323 : memref<128xi32, #tpu.memory_space<hbm>>) dst(%dma_wait3A_320 : memref<128xi32, #tpu.memory_space<vmem>>)
      tpu.yield
    }) : () -> ()
    %mul3A_62 = arith.constant 128 : i32
    %mul3A_63 = arith.muli %select_n3A, %mul3A_62 : i32
    %min3A = arith.constant 96640 : i32
    %min3A_64 = arith.minsi %mul3A_63, %min3A : i32
    %run_scoped3A_65 = arith.constant 0 : i32
    "tpu.region"() ({
      %run_scoped3A_304 = tpu.sem_alloc : memref<!tpu.dma_semaphore, #tpu.memory_space<semaphore_mem>>
      %dma_start3A_305 = tpu.memref_slice %arg2[%run_scoped3A_65, %min3A_64] : memref<1x100000xf32, #tpu.memory_space<hbm>> -> memref<1x3328xf32, #tpu.memory_space<hbm>>
      %dma_start3A_306 = tpu.memref_squeeze %dma_start3A_305 : memref<1x3328xf32, #tpu.memory_space<hbm>> -> memref<3328xf32, #tpu.memory_space<hbm>>
      %dma_start3A_307 = tpu.memref_slice %arg2[%run_scoped3A_65, %min3A_64] : memref<1x100000xf32, #tpu.memory_space<hbm>> -> memref<1x3328xf32, #tpu.memory_space<hbm>>
      %dma_start3A_308 = tpu.memref_squeeze %dma_start3A_307 : memref<1x3328xf32, #tpu.memory_space<hbm>> -> memref<3328xf32, #tpu.memory_space<hbm>>
      tpu.enqueue_dma source(%dma_start3A_308 : memref<3328xf32, #tpu.memory_space<hbm>>) target(%arg13 : memref<3328xf32, #tpu.memory_space<vmem>>) target_semaphore(%run_scoped3A_304 : memref<!tpu.dma_semaphore, #tpu.memory_space<semaphore_mem>>)
      %dma_wait3A = tpu.memref_slice %arg2[%run_scoped3A_65, %min3A_64] : memref<1x100000xf32, #tpu.memory_space<hbm>> -> memref<1x3328xf32, #tpu.memory_space<hbm>>
      %dma_wait3A_309 = tpu.memref_squeeze %dma_wait3A : memref<1x3328xf32, #tpu.memory_space<hbm>> -> memref<3328xf32, #tpu.memory_space<hbm>>
      %dma_wait3A_310 = tpu.memref_slice %arg2[%run_scoped3A_65, %min3A_64] : memref<1x100000xf32, #tpu.memory_space<hbm>> -> memref<1x3328xf32, #tpu.memory_space<hbm>>
      %dma_wait3A_311 = tpu.memref_squeeze %dma_wait3A_310 : memref<1x3328xf32, #tpu.memory_space<hbm>> -> memref<3328xf32, #tpu.memory_space<hbm>>
      tpu.wait_dma2 semaphore(%run_scoped3A_304 : memref<!tpu.dma_semaphore, #tpu.memory_space<semaphore_mem>>) src(%dma_wait3A_311 : memref<3328xf32, #tpu.memory_space<hbm>>) dst(%arg13 : memref<3328xf32, #tpu.memory_space<vmem>>)
      tpu.yield
    }) : () -> ()
    %run_scoped3A_66 = arith.constant 0 : i32
    "tpu.region"() ({
      %run_scoped3A_304 = tpu.sem_alloc : memref<!tpu.dma_semaphore, #tpu.memory_space<semaphore_mem>>
      %dma_start3A_305 = tpu.memref_slice %arg5[%run_scoped3A_66, %min3A_64] : memref<1x100000xf32, #tpu.memory_space<hbm>> -> memref<1x3328xf32, #tpu.memory_space<hbm>>
      %dma_start3A_306 = tpu.memref_squeeze %dma_start3A_305 : memref<1x3328xf32, #tpu.memory_space<hbm>> -> memref<3328xf32, #tpu.memory_space<hbm>>
      %dma_start3A_307 = tpu.memref_slice %arg5[%run_scoped3A_66, %min3A_64] : memref<1x100000xf32, #tpu.memory_space<hbm>> -> memref<1x3328xf32, #tpu.memory_space<hbm>>
      %dma_start3A_308 = tpu.memref_squeeze %dma_start3A_307 : memref<1x3328xf32, #tpu.memory_space<hbm>> -> memref<3328xf32, #tpu.memory_space<hbm>>
      tpu.enqueue_dma source(%dma_start3A_308 : memref<3328xf32, #tpu.memory_space<hbm>>) target(%arg14 : memref<3328xf32, #tpu.memory_space<vmem>>) target_semaphore(%run_scoped3A_304 : memref<!tpu.dma_semaphore, #tpu.memory_space<semaphore_mem>>)
      %dma_wait3A = tpu.memref_slice %arg5[%run_scoped3A_66, %min3A_64] : memref<1x100000xf32, #tpu.memory_space<hbm>> -> memref<1x3328xf32, #tpu.memory_space<hbm>>
      %dma_wait3A_309 = tpu.memref_squeeze %dma_wait3A : memref<1x3328xf32, #tpu.memory_space<hbm>> -> memref<3328xf32, #tpu.memory_space<hbm>>
      %dma_wait3A_310 = tpu.memref_slice %arg5[%run_scoped3A_66, %min3A_64] : memref<1x100000xf32, #tpu.memory_space<hbm>> -> memref<1x3328xf32, #tpu.memory_space<hbm>>
      %dma_wait3A_311 = tpu.memref_squeeze %dma_wait3A_310 : memref<1x3328xf32, #tpu.memory_space<hbm>> -> memref<3328xf32, #tpu.memory_space<hbm>>
      tpu.wait_dma2 semaphore(%run_scoped3A_304 : memref<!tpu.dma_semaphore, #tpu.memory_space<semaphore_mem>>) src(%dma_wait3A_311 : memref<3328xf32, #tpu.memory_space<hbm>>) dst(%arg14 : memref<3328xf32, #tpu.memory_space<vmem>>)
      tpu.yield
    }) : () -> ()
    %broadcast_in_dim3A = arith.constant 0.000000e+00 : f32
    %broadcast_in_dim3A_67 = vector.broadcast %broadcast_in_dim3A : f32 to vector<16xf32>
    %broadcast_in_dim3A_68 = arith.constant 0 : i32
    %broadcast_in_dim3A_69 = vector.broadcast %broadcast_in_dim3A_68 : i32 to vector<16xi32>
    %sub3A_70 = arith.subi %select_n3A_46, %select_n3A : i32
    %while3A = arith.constant 0 : i32
    %while3A_71 = arith.subi %sub3A_70, %while3A : i32
    %while3A_72 = arith.addi %while3A, %while3A_71 : i32
    %while3A_73 = arith.constant 1 : i32
    %while3A_74 = arith.divsi %while3A_71, %while3A_73 : i32
    %while3A_75 = arith.muli %while3A_74, %while3A_73 : i32
    %while3A_76 = arith.addi %while3A, %while3A_75 : i32
    %while3A_77 = arith.constant 1 : i32
    %while3A_78:4 = scf.for %while3A_304 = %while3A to %while3A_76 step %while3A_77 iter_args(%while3A_305 = %broadcast_in_dim3A_67, %while3A_306 = %broadcast_in_dim3A_67, %while3A_307 = %broadcast_in_dim3A_67, %while3A_308 = %broadcast_in_dim3A_67) -> (vector<16xf32>, vector<16xf32>, vector<16xf32>, vector<16xf32>)  : i32 {
      %add3A_309 = arith.addi %select_n3A, %while3A_304 : i32
      %rem3A_310 = arith.constant 2 : i32
      %rem3A_311 = arith.remsi %while3A_304, %rem3A_310 : i32
      %add3A_312 = arith.constant 1 : i32
      %add3A_313 = arith.addi %add3A_309, %add3A_312 : i32
      %lt3A = arith.cmpi slt, %add3A_313, %select_n3A_46 : i32
      %convert_element_type3A_314 = arith.extui %lt3A : i1 to i32
      %cond3A = arith.constant 0 : i32
      %cond3A_315 = arith.cmpi ne, %convert_element_type3A_314, %cond3A : i32
      scf.if %cond3A_315 {
        %add3A_337 = arith.constant 1 : i32
        %add3A_338 = arith.addi %add3A_309, %add3A_337 : i32
        %sub3A_339 = arith.constant 1 : i32
        %sub3A_340 = arith.subi %sub3A_339, %rem3A_311 : i32
        %mul3A_341 = arith.constant 128 : i32
        %mul3A_342 = arith.muli %add3A_338, %mul3A_341 : i32
        %mul3A_343 = arith.constant 64 : i32
        %mul3A_344 = arith.muli %sub3A_340, %mul3A_343 : i32
        %dma_start3A_345 = arith.constant 0 : i32
        %dma_start3A_346 = tpu.memref_slice %arg12[%mul3A_344, %dma_start3A_345] : memref<128x128xi32, #tpu.memory_space<vmem>> -> memref<64x128xi32, #tpu.memory_space<vmem>>
        %dma_start3A_347 = arith.constant 0 : i32
        %dma_start3A_348 = tpu.memref_slice %arg3[%dma_start3A_347, %mul3A_342] : memref<64x100000xi32, #tpu.memory_space<hbm>> -> memref<64x128xi32, #tpu.memory_space<hbm>>
        %dma_start3A_349 = tpu.memref_slice %arg21[%sub3A_340] : memref<2x!tpu.dma_semaphore, #tpu.memory_space<semaphore_mem>> -> memref<1x!tpu.dma_semaphore, #tpu.memory_space<semaphore_mem>>
        %dma_start3A_350 = tpu.memref_squeeze %dma_start3A_349 : memref<1x!tpu.dma_semaphore, #tpu.memory_space<semaphore_mem>> -> memref<!tpu.dma_semaphore, #tpu.memory_space<semaphore_mem>>
        %dma_start3A_351 = arith.constant 0 : i32
        %dma_start3A_352 = tpu.memref_slice %arg12[%mul3A_344, %dma_start3A_351] : memref<128x128xi32, #tpu.memory_space<vmem>> -> memref<64x128xi32, #tpu.memory_space<vmem>>
        %dma_start3A_353 = arith.constant 0 : i32
        %dma_start3A_354 = tpu.memref_slice %arg3[%dma_start3A_353, %mul3A_342] : memref<64x100000xi32, #tpu.memory_space<hbm>> -> memref<64x128xi32, #tpu.memory_space<hbm>>
        tpu.enqueue_dma source(%dma_start3A_354 : memref<64x128xi32, #tpu.memory_space<hbm>>) target(%dma_start3A_352 : memref<64x128xi32, #tpu.memory_space<vmem>>) target_semaphore(%dma_start3A_350 : memref<!tpu.dma_semaphore, #tpu.memory_space<semaphore_mem>>)
      } else {
      }
      %mul3A_316 = arith.constant 128 : i32
      %mul3A_317 = arith.muli %add3A_309, %mul3A_316 : i32
      %mul3A_318 = arith.constant 64 : i32
      %mul3A_319 = arith.muli %rem3A_311, %mul3A_318 : i32
      %dma_wait3A = arith.constant 0 : i32
      %dma_wait3A_320 = tpu.memref_slice %arg12[%mul3A_319, %dma_wait3A] : memref<128x128xi32, #tpu.memory_space<vmem>> -> memref<64x128xi32, #tpu.memory_space<vmem>>
      %dma_wait3A_321 = arith.constant 0 : i32
      %dma_wait3A_322 = tpu.memref_slice %arg3[%dma_wait3A_321, %mul3A_317] : memref<64x100000xi32, #tpu.memory_space<hbm>> -> memref<64x128xi32, #tpu.memory_space<hbm>>
      %dma_wait3A_323 = tpu.memref_slice %arg21[%rem3A_311] : memref<2x!tpu.dma_semaphore, #tpu.memory_space<semaphore_mem>> -> memref<1x!tpu.dma_semaphore, #tpu.memory_space<semaphore_mem>>
      %dma_wait3A_324 = tpu.memref_squeeze %dma_wait3A_323 : memref<1x!tpu.dma_semaphore, #tpu.memory_space<semaphore_mem>> -> memref<!tpu.dma_semaphore, #tpu.memory_space<semaphore_mem>>
      %dma_wait3A_325 = arith.constant 0 : i32
      %dma_wait3A_326 = tpu.memref_slice %arg12[%mul3A_319, %dma_wait3A_325] : memref<128x128xi32, #tpu.memory_space<vmem>> -> memref<64x128xi32, #tpu.memory_space<vmem>>
      %dma_wait3A_327 = arith.constant 0 : i32
      %dma_wait3A_328 = tpu.memref_slice %arg3[%dma_wait3A_327, %mul3A_317] : memref<64x100000xi32, #tpu.memory_space<hbm>> -> memref<64x128xi32, #tpu.memory_space<hbm>>
      tpu.wait_dma2 semaphore(%dma_wait3A_324 : memref<!tpu.dma_semaphore, #tpu.memory_space<semaphore_mem>>) src(%dma_wait3A_328 : memref<64x128xi32, #tpu.memory_space<hbm>>) dst(%dma_wait3A_326 : memref<64x128xi32, #tpu.memory_space<vmem>>)
      %mul3A_329 = arith.constant 64 : i32
      %mul3A_330 = arith.muli %rem3A_311, %mul3A_329 : i32
      %scan3A_331 = arith.constant 0 : i32
      %scan3A_332 = arith.constant 8 : i32
      %scan3A_333 = arith.addi %scan3A_331, %scan3A_332 : i32
      %scan3A_334 = arith.constant 1 : i32
      %scan3A_335:4 = scf.for %scan3A_337 = %scan3A_331 to %scan3A_333 step %scan3A_334 iter_args(%scan3A_338 = %while3A_305, %scan3A_339 = %while3A_306, %scan3A_340 = %while3A_307, %scan3A_341 = %while3A_308) -> (vector<16xf32>, vector<16xf32>, vector<16xf32>, vector<16xf32>)  : i32 {
        %mul3A_342 = arith.constant 128 : i32
        %mul3A_343 = arith.muli %add3A_309, %mul3A_342 : i32
        %mul3A_344 = arith.constant 16 : i32
        %mul3A_345 = arith.muli %scan3A_337, %mul3A_344 : i32
        %add3A_346 = arith.addi %mul3A_343, %mul3A_345 : i32
        %mul3A_347 = arith.constant 16 : i32
        %mul3A_348 = arith.muli %scan3A_337, %mul3A_347 : i32
        %sub3A_349 = arith.subi %add3A_346, %min3A_64 : i32
        %get3A_350 = arith.index_cast %add3A_346 : i32 to index
        %get3A_351 = tpu.vector_load %arg11[%get3A_350] {strides = array<i32>} : memref<100096xi32, #tpu.memory_space<vmem>>, vector<16xi32>,
        %scan3A_352 = arith.constant 0 : i32
        %scan3A_353 = arith.constant 8 : i32
        %scan3A_354 = arith.addi %scan3A_352, %scan3A_353 : i32
        %scan3A_355 = arith.constant 1 : i32
        %scan3A_356 = scf.for %scan3A_454 = %scan3A_352 to %scan3A_354 step %scan3A_355 iter_args(%scan3A_455 = %broadcast_in_dim3A_69) -> (vector<16xi32>)  : i32 {
          %mul3A_456 = arith.constant 8 : i32
          %mul3A_457 = arith.muli %scan3A_454, %mul3A_456 : i32
          %add3A_458 = arith.addi %mul3A_330, %mul3A_457 : i32
          %add3A_459 = arith.constant 0 : i32
          %add3A_460 = arith.addi %add3A_458, %add3A_459 : i32
          %get3A_461 = arith.index_cast %add3A_460 : i32 to index
          %get3A_462 = arith.index_cast %mul3A_348 : i32 to index
          %get3A_463 = tpu.vector_load %arg12[%get3A_461, %get3A_462] {strides = array<i32>} : memref<128x128xi32, #tpu.memory_space<vmem>>, vector<16xi32>,
          %gather3A = tpu.vector_load_idx %arg11[%get3A_463] : memref<100096xi32, #tpu.memory_space<vmem>>[vector<16xi32>], vector<16xi32>,
          %eq3A_464 = arith.cmpi eq, %gather3A, %get3A_351 : vector<16xi32>
          %convert_element_type3A_465 = arith.extui %eq3A_464 : vector<16xi1> to vector<16xi32>
          %add3A_466 = arith.addi %scan3A_455, %convert_element_type3A_465 : vector<16xi32>
          %mul3A_467 = arith.constant 8 : i32
          %mul3A_468 = arith.muli %scan3A_454, %mul3A_467 : i32
          %add3A_469 = arith.addi %mul3A_330, %mul3A_468 : i32
          %add3A_470 = arith.constant 1 : i32
          %add3A_471 = arith.addi %add3A_469, %add3A_470 : i32
          %get3A_472 = arith.index_cast %add3A_471 : i32 to index
          %get3A_473 = arith.index_cast %mul3A_348 : i32 to index
          %get3A_474 = tpu.vector_load %arg12[%get3A_472, %get3A_473] {strides = array<i32>} : memref<128x128xi32, #tpu.memory_space<vmem>>, vector<16xi32>,
          %gather3A_475 = tpu.vector_load_idx %arg11[%get3A_474] : memref<100096xi32, #tpu.memory_space<vmem>>[vector<16xi32>], vector<16xi32>,
          %eq3A_476 = arith.cmpi eq, %gather3A_475, %get3A_351 : vector<16xi32>
          %convert_element_type3A_477 = arith.extui %eq3A_476 : vector<16xi1> to vector<16xi32>
          %add3A_478 = arith.addi %add3A_466, %convert_element_type3A_477 : vector<16xi32>
          %mul3A_479 = arith.constant 8 : i32
          %mul3A_480 = arith.muli %scan3A_454, %mul3A_479 : i32
          %add3A_481 = arith.addi %mul3A_330, %mul3A_480 : i32
          %add3A_482 = arith.constant 2 : i32
          %add3A_483 = arith.addi %add3A_481, %add3A_482 : i32
          %get3A_484 = arith.index_cast %add3A_483 : i32 to index
          %get3A_485 = arith.index_cast %mul3A_348 : i32 to index
          %get3A_486 = tpu.vector_load %arg12[%get3A_484, %get3A_485] {strides = array<i32>} : memref<128x128xi32, #tpu.memory_space<vmem>>, vector<16xi32>,
          %gather3A_487 = tpu.vector_load_idx %arg11[%get3A_486] : memref<100096xi32, #tpu.memory_space<vmem>>[vector<16xi32>], vector<16xi32>,
          %eq3A_488 = arith.cmpi eq, %gather3A_487, %get3A_351 : vector<16xi32>
          %convert_element_type3A_489 = arith.extui %eq3A_488 : vector<16xi1> to vector<16xi32>
          %add3A_490 = arith.addi %add3A_478, %convert_element_type3A_489 : vector<16xi32>
          %mul3A_491 = arith.constant 8 : i32
          %mul3A_492 = arith.muli %scan3A_454, %mul3A_491 : i32
          %add3A_493 = arith.addi %mul3A_330, %mul3A_492 : i32
          %add3A_494 = arith.constant 3 : i32
          %add3A_495 = arith.addi %add3A_493, %add3A_494 : i32
          %get3A_496 = arith.index_cast %add3A_495 : i32 to index
          %get3A_497 = arith.index_cast %mul3A_348 : i32 to index
          %get3A_498 = tpu.vector_load %arg12[%get3A_496, %get3A_497] {strides = array<i32>} : memref<128x128xi32, #tpu.memory_space<vmem>>, vector<16xi32>,
          %gather3A_499 = tpu.vector_load_idx %arg11[%get3A_498] : memref<100096xi32, #tpu.memory_space<vmem>>[vector<16xi32>], vector<16xi32>,
          %eq3A_500 = arith.cmpi eq, %gather3A_499, %get3A_351 : vector<16xi32>
          %convert_element_type3A_501 = arith.extui %eq3A_500 : vector<16xi1> to vector<16xi32>
          %add3A_502 = arith.addi %add3A_490, %convert_element_type3A_501 : vector<16xi32>
          %mul3A_503 = arith.constant 8 : i32
          %mul3A_504 = arith.muli %scan3A_454, %mul3A_503 : i32
          %add3A_505 = arith.addi %mul3A_330, %mul3A_504 : i32
          %add3A_506 = arith.constant 4 : i32
          %add3A_507 = arith.addi %add3A_505, %add3A_506 : i32
          %get3A_508 = arith.index_cast %add3A_507 : i32 to index
          %get3A_509 = arith.index_cast %mul3A_348 : i32 to index
          %get3A_510 = tpu.vector_load %arg12[%get3A_508, %get3A_509] {strides = array<i32>} : memref<128x128xi32, #tpu.memory_space<vmem>>, vector<16xi32>,
          %gather3A_511 = tpu.vector_load_idx %arg11[%get3A_510] : memref<100096xi32, #tpu.memory_space<vmem>>[vector<16xi32>], vector<16xi32>,
          %eq3A_512 = arith.cmpi eq, %gather3A_511, %get3A_351 : vector<16xi32>
          %convert_element_type3A_513 = arith.extui %eq3A_512 : vector<16xi1> to vector<16xi32>
          %add3A_514 = arith.addi %add3A_502, %convert_element_type3A_513 : vector<16xi32>
          %mul3A_515 = arith.constant 8 : i32
          %mul3A_516 = arith.muli %scan3A_454, %mul3A_515 : i32
          %add3A_517 = arith.addi %mul3A_330, %mul3A_516 : i32
          %add3A_518 = arith.constant 5 : i32
          %add3A_519 = arith.addi %add3A_517, %add3A_518 : i32
          %get3A_520 = arith.index_cast %add3A_519 : i32 to index
          %get3A_521 = arith.index_cast %mul3A_348 : i32 to index
          %get3A_522 = tpu.vector_load %arg12[%get3A_520, %get3A_521] {strides = array<i32>} : memref<128x128xi32, #tpu.memory_space<vmem>>, vector<16xi32>,
          %gather3A_523 = tpu.vector_load_idx %arg11[%get3A_522] : memref<100096xi32, #tpu.memory_space<vmem>>[vector<16xi32>], vector<16xi32>,
          %eq3A_524 = arith.cmpi eq, %gather3A_523, %get3A_351 : vector<16xi32>
          %convert_element_type3A_525 = arith.extui %eq3A_524 : vector<16xi1> to vector<16xi32>
          %add3A_526 = arith.addi %add3A_514, %convert_element_type3A_525 : vector<16xi32>
          %mul3A_527 = arith.constant 8 : i32
          %mul3A_528 = arith.muli %scan3A_454, %mul3A_527 : i32
          %add3A_529 = arith.addi %mul3A_330, %mul3A_528 : i32
          %add3A_530 = arith.constant 6 : i32
          %add3A_531 = arith.addi %add3A_529, %add3A_530 : i32
          %get3A_532 = arith.index_cast %add3A_531 : i32 to index
          %get3A_533 = arith.index_cast %mul3A_348 : i32 to index
          %get3A_534 = tpu.vector_load %arg12[%get3A_532, %get3A_533] {strides = array<i32>} : memref<128x128xi32, #tpu.memory_space<vmem>>, vector<16xi32>,
          %gather3A_535 = tpu.vector_load_idx %arg11[%get3A_534] : memref<100096xi32, #tpu.memory_space<vmem>>[vector<16xi32>], vector<16xi32>,
          %eq3A_536 = arith.cmpi eq, %gather3A_535, %get3A_351 : vector<16xi32>
          %convert_element_type3A_537 = arith.extui %eq3A_536 : vector<16xi1> to vector<16xi32>
          %add3A_538 = arith.addi %add3A_526, %convert_element_type3A_537 : vector<16xi32>
          %mul3A_539 = arith.constant 8 : i32
          %mul3A_540 = arith.muli %scan3A_454, %mul3A_539 : i32
          %add3A_541 = arith.addi %mul3A_330, %mul3A_540 : i32
          %add3A_542 = arith.constant 7 : i32
          %add3A_543 = arith.addi %add3A_541, %add3A_542 : i32
          %get3A_544 = arith.index_cast %add3A_543 : i32 to index
          %get3A_545 = arith.index_cast %mul3A_348 : i32 to index
          %get3A_546 = tpu.vector_load %arg12[%get3A_544, %get3A_545] {strides = array<i32>} : memref<128x128xi32, #tpu.memory_space<vmem>>, vector<16xi32>,
          %gather3A_547 = tpu.vector_load_idx %arg11[%get3A_546] : memref<100096xi32, #tpu.memory_space<vmem>>[vector<16xi32>], vector<16xi32>,
          %eq3A_548 = arith.cmpi eq, %gather3A_547, %get3A_351 : vector<16xi32>
          %convert_element_type3A_549 = arith.extui %eq3A_548 : vector<16xi1> to vector<16xi32>
          %add3A_550 = arith.addi %add3A_538, %convert_element_type3A_549 : vector<16xi32>
          scf.yield %add3A_550 : vector<16xi32>
        }
        %scan3A_357 = arith.constant 8 : i32
        %mul3A_358 = arith.constant 10 : i32
        %mul3A_359 = vector.broadcast %mul3A_358 : i32 to vector<16xi32>
        %mul3A_360 = arith.muli %scan3A_356, %mul3A_359 : vector<16xi32>
        %gt3A_361 = arith.constant 576 : i32
        %gt3A_362 = vector.broadcast %gt3A_361 : i32 to vector<16xi32>
        %gt3A_363 = arith.cmpi sgt, %mul3A_360, %gt3A_362 : vector<16xi32>
        %get3A_364 = arith.index_cast %sub3A_349 : i32 to index
        %get3A_365 = tpu.vector_load %arg13[%get3A_364] {strides = array<i32>} : memref<3328xf32, #tpu.memory_space<vmem>>, vector<16xf32>,
        %jit3A_366 = arith.constant 1.000000e-07 : f32
        %jit3A_367 = arith.constant 0.99999988 : f32
        %max3A_368 = vector.broadcast %jit3A_366 : f32 to vector<16xf32>
        %max3A_369 = arith.maximumf %max3A_368, %get3A_365 : vector<16xf32>
        %min3A_370 = vector.broadcast %jit3A_367 : f32 to vector<16xf32>
        %min3A_371 = arith.minimumf %min3A_370, %max3A_369 : vector<16xf32>
        %sub3A_372 = arith.constant 1.000000e+00 : f32
        %sub3A_373 = vector.broadcast %sub3A_372 : f32 to vector<16xf32>
        %sub3A_374 = arith.subf %sub3A_373, %min3A_371 : vector<16xf32>
        %select_n3A_375 = arith.select %gt3A_363, %min3A_371, %sub3A_374 : vector<16xi1>, vector<16xf32>
        %bitcast3A_376 = vector.bitcast %select_n3A_375 : vector<16xf32> to vector<16xi32>
        %shift_right_arithmetic3A_377 = arith.constant 23 : i32
        %shift_right_arithmetic3A_378 = vector.broadcast %shift_right_arithmetic3A_377 : i32 to vector<16xi32>
        %shift_right_arithmetic3A_379 = arith.shrsi %bitcast3A_376, %shift_right_arithmetic3A_378 : vector<16xi32>
        %sub3A_380 = arith.constant 127 : i32
        %sub3A_381 = vector.broadcast %sub3A_380 : i32 to vector<16xi32>
        %sub3A_382 = arith.subi %shift_right_arithmetic3A_379, %sub3A_381 : vector<16xi32>
        %and3A_383 = arith.constant 8388607 : i32
        %and3A_384 = vector.broadcast %and3A_383 : i32 to vector<16xi32>
        %and3A_385 = arith.andi %bitcast3A_376, %and3A_384 : vector<16xi32>
        %or3A_386 = arith.constant 1065353216 : i32
        %or3A_387 = vector.broadcast %or3A_386 : i32 to vector<16xi32>
        %or3A_388 = arith.ori %and3A_385, %or3A_387 : vector<16xi32>
        %bitcast3A_389 = vector.bitcast %or3A_388 : vector<16xi32> to vector<16xf32>
        %gt3A_390 = arith.constant 1.41421354 : f32
        %gt3A_391 = vector.broadcast %gt3A_390 : f32 to vector<16xf32>
        %gt3A_392 = arith.cmpf ogt, %bitcast3A_389, %gt3A_391 : vector<16xf32>
        %mul3A_393 = arith.constant 5.000000e-01 : f32
        %mul3A_394 = vector.broadcast %mul3A_393 : f32 to vector<16xf32>
        %mul3A_395 = arith.mulf %bitcast3A_389, %mul3A_394 : vector<16xf32>
        %select_n3A_396 = arith.select %gt3A_392, %mul3A_395, %bitcast3A_389 : vector<16xi1>, vector<16xf32>
        %convert_element_type3A_397 = arith.extui %gt3A_392 : vector<16xi1> to vector<16xi32>
        %add3A_398 = arith.addi %sub3A_382, %convert_element_type3A_397 : vector<16xi32>
        %convert_element_type3A_399 = arith.sitofp %add3A_398 : vector<16xi32> to vector<16xf32>
        %sub3A_400 = arith.constant 1.000000e+00 : f32
        %sub3A_401 = vector.broadcast %sub3A_400 : f32 to vector<16xf32>
        %sub3A_402 = arith.subf %select_n3A_396, %sub3A_401 : vector<16xf32>
        %add3A_403 = arith.constant 1.000000e+00 : f32
        %add3A_404 = vector.broadcast %add3A_403 : f32 to vector<16xf32>
        %add3A_405 = arith.addf %select_n3A_396, %add3A_404 : vector<16xf32>
        %div3A_406 = arith.divf %sub3A_402, %add3A_405 : vector<16xf32>
        %mul3A_407 = arith.mulf %div3A_406, %div3A_406 : vector<16xf32>
        %mul3A_408 = arith.constant 2.000000e+00 : f32
        %mul3A_409 = vector.broadcast %mul3A_408 : f32 to vector<16xf32>
        %mul3A_410 = arith.mulf %mul3A_409, %div3A_406 : vector<16xf32>
        %mul3A_411 = arith.constant 0.111111112 : f32
        %mul3A_412 = vector.broadcast %mul3A_411 : f32 to vector<16xf32>
        %mul3A_413 = arith.mulf %mul3A_407, %mul3A_412 : vector<16xf32>
        %add3A_414 = arith.constant 0.142857149 : f32
        %add3A_415 = vector.broadcast %add3A_414 : f32 to vector<16xf32>
        %add3A_416 = arith.addf %add3A_415, %mul3A_413 : vector<16xf32>
        %mul3A_417 = arith.mulf %mul3A_407, %add3A_416 : vector<16xf32>
        %add3A_418 = arith.constant 2.000000e-01 : f32
        %add3A_419 = vector.broadcast %add3A_418 : f32 to vector<16xf32>
        %add3A_420 = arith.addf %add3A_419, %mul3A_417 : vector<16xf32>
        %mul3A_421 = arith.mulf %mul3A_407, %add3A_420 : vector<16xf32>
        %add3A_422 = arith.constant 0.333333343 : f32
        %add3A_423 = vector.broadcast %add3A_422 : f32 to vector<16xf32>
        %add3A_424 = arith.addf %add3A_423, %mul3A_421 : vector<16xf32>
        %mul3A_425 = arith.mulf %mul3A_407, %add3A_424 : vector<16xf32>
        %add3A_426 = arith.constant 1.000000e+00 : f32
        %add3A_427 = vector.broadcast %add3A_426 : f32 to vector<16xf32>
        %add3A_428 = arith.addf %add3A_427, %mul3A_425 : vector<16xf32>
        %mul3A_429 = arith.mulf %mul3A_410, %add3A_428 : vector<16xf32>
        %mul3A_430 = arith.constant 0.693147182 : f32
        %mul3A_431 = vector.broadcast %mul3A_430 : f32 to vector<16xf32>
        %mul3A_432 = arith.mulf %convert_element_type3A_399, %mul3A_431 : vector<16xf32>
        %add3A_433 = arith.addf %mul3A_432, %mul3A_429 : vector<16xf32>
        %neg3A_434 = arith.constant 0.000000e+00 : f32
        %neg3A_435 = vector.broadcast %neg3A_434 : f32 to vector<16xf32>
        %neg3A_436 = arith.subf %neg3A_435, %add3A_433 : vector<16xf32>
        %get3A_437 = arith.index_cast %sub3A_349 : i32 to index
        %get3A_438 = tpu.vector_load %arg14[%get3A_437] {strides = array<i32>} : memref<3328xf32, #tpu.memory_space<vmem>>, vector<16xf32>,
        %ge3A_439 = arith.constant 0 : i32
        %ge3A_440 = vector.broadcast %ge3A_439 : i32 to vector<16xi32>
        %ge3A_441 = arith.cmpi sge, %get3A_351, %ge3A_440 : vector<16xi32>
        %convert_element_type3A_442 = arith.extui %ge3A_441 : vector<16xi1> to vector<16xi32>
        %convert_element_type3A_443 = arith.sitofp %convert_element_type3A_442 : vector<16xi32> to vector<16xf32>
        %mul3A_444 = arith.mulf %get3A_438, %convert_element_type3A_443 : vector<16xf32>
        %sub3A_445 = arith.constant 1.000000e+00 : f32
        %sub3A_446 = vector.broadcast %sub3A_445 : f32 to vector<16xf32>
        %sub3A_447 = arith.subf %sub3A_446, %convert_element_type3A_443 : vector<16xf32>
        %mul3A_448 = arith.mulf %mul3A_444, %neg3A_436 : vector<16xf32>
        %add3A_449 = arith.addf %scan3A_338, %mul3A_448 : vector<16xf32>
        %add3A_450 = arith.addf %scan3A_339, %mul3A_444 : vector<16xf32>
        %mul3A_451 = arith.mulf %sub3A_447, %neg3A_436 : vector<16xf32>
        %add3A_452 = arith.addf %scan3A_340, %mul3A_451 : vector<16xf32>
        %add3A_453 = arith.addf %scan3A_341, %sub3A_447 : vector<16xf32>
        scf.yield %add3A_449, %add3A_450, %add3A_452, %add3A_453 : vector<16xf32>, vector<16xf32>, vector<16xf32>, vector<16xf32>
      }
      %scan3A_336 = arith.constant 8 : i32
      scf.yield %scan3A_335#0, %scan3A_335#1, %scan3A_335#2, %scan3A_335#3 : vector<16xf32>, vector<16xf32>, vector<16xf32>, vector<16xf32>
    }
    %while3A_79 = arith.constant 1 : i32
    %while3A_80:4 = scf.for %while3A_304 = %while3A_76 to %while3A_72 step %while3A_79 iter_args(%while3A_305 = %while3A_78#0, %while3A_306 = %while3A_78#1, %while3A_307 = %while3A_78#2, %while3A_308 = %while3A_78#3) -> (vector<16xf32>, vector<16xf32>, vector<16xf32>, vector<16xf32>)  : i32 {
      %add3A_309 = arith.addi %select_n3A, %while3A_304 : i32
      %rem3A_310 = arith.constant 2 : i32
      %rem3A_311 = arith.remsi %while3A_304, %rem3A_310 : i32
      %add3A_312 = arith.constant 1 : i32
      %add3A_313 = arith.addi %add3A_309, %add3A_312 : i32
      %lt3A = arith.cmpi slt, %add3A_313, %select_n3A_46 : i32
      %convert_element_type3A_314 = arith.extui %lt3A : i1 to i32
      %cond3A = arith.constant 0 : i32
      %cond3A_315 = arith.cmpi ne, %convert_element_type3A_314, %cond3A : i32
      scf.if %cond3A_315 {
        %add3A_337 = arith.constant 1 : i32
        %add3A_338 = arith.addi %add3A_309, %add3A_337 : i32
        %sub3A_339 = arith.constant 1 : i32
        %sub3A_340 = arith.subi %sub3A_339, %rem3A_311 : i32
        %mul3A_341 = arith.constant 128 : i32
        %mul3A_342 = arith.muli %add3A_338, %mul3A_341 : i32
        %mul3A_343 = arith.constant 64 : i32
        %mul3A_344 = arith.muli %sub3A_340, %mul3A_343 : i32
        %dma_start3A_345 = arith.constant 0 : i32
        %dma_start3A_346 = tpu.memref_slice %arg12[%mul3A_344, %dma_start3A_345] : memref<128x128xi32, #tpu.memory_space<vmem>> -> memref<64x128xi32, #tpu.memory_space<vmem>>
        %dma_start3A_347 = arith.constant 0 : i32
        %dma_start3A_348 = tpu.memref_slice %arg3[%dma_start3A_347, %mul3A_342] : memref<64x100000xi32, #tpu.memory_space<hbm>> -> memref<64x128xi32, #tpu.memory_space<hbm>>
        %dma_start3A_349 = tpu.memref_slice %arg21[%sub3A_340] : memref<2x!tpu.dma_semaphore, #tpu.memory_space<semaphore_mem>> -> memref<1x!tpu.dma_semaphore, #tpu.memory_space<semaphore_mem>>
        %dma_start3A_350 = tpu.memref_squeeze %dma_start3A_349 : memref<1x!tpu.dma_semaphore, #tpu.memory_space<semaphore_mem>> -> memref<!tpu.dma_semaphore, #tpu.memory_space<semaphore_mem>>
        %dma_start3A_351 = arith.constant 0 : i32
        %dma_start3A_352 = tpu.memref_slice %arg12[%mul3A_344, %dma_start3A_351] : memref<128x128xi32, #tpu.memory_space<vmem>> -> memref<64x128xi32, #tpu.memory_space<vmem>>
        %dma_start3A_353 = arith.constant 0 : i32
        %dma_start3A_354 = tpu.memref_slice %arg3[%dma_start3A_353, %mul3A_342] : memref<64x100000xi32, #tpu.memory_space<hbm>> -> memref<64x128xi32, #tpu.memory_space<hbm>>
        tpu.enqueue_dma source(%dma_start3A_354 : memref<64x128xi32, #tpu.memory_space<hbm>>) target(%dma_start3A_352 : memref<64x128xi32, #tpu.memory_space<vmem>>) target_semaphore(%dma_start3A_350 : memref<!tpu.dma_semaphore, #tpu.memory_space<semaphore_mem>>)
      } else {
      }
      %mul3A_316 = arith.constant 128 : i32
      %mul3A_317 = arith.muli %add3A_309, %mul3A_316 : i32
      %mul3A_318 = arith.constant 64 : i32
      %mul3A_319 = arith.muli %rem3A_311, %mul3A_318 : i32
      %dma_wait3A = arith.constant 0 : i32
      %dma_wait3A_320 = tpu.memref_slice %arg12[%mul3A_319, %dma_wait3A] : memref<128x128xi32, #tpu.memory_space<vmem>> -> memref<64x128xi32, #tpu.memory_space<vmem>>
      %dma_wait3A_321 = arith.constant 0 : i32
      %dma_wait3A_322 = tpu.memref_slice %arg3[%dma_wait3A_321, %mul3A_317] : memref<64x100000xi32, #tpu.memory_space<hbm>> -> memref<64x128xi32, #tpu.memory_space<hbm>>
      %dma_wait3A_323 = tpu.memref_slice %arg21[%rem3A_311] : memref<2x!tpu.dma_semaphore, #tpu.memory_space<semaphore_mem>> -> memref<1x!tpu.dma_semaphore, #tpu.memory_space<semaphore_mem>>
      %dma_wait3A_324 = tpu.memref_squeeze %dma_wait3A_323 : memref<1x!tpu.dma_semaphore, #tpu.memory_space<semaphore_mem>> -> memref<!tpu.dma_semaphore, #tpu.memory_space<semaphore_mem>>
      %dma_wait3A_325 = arith.constant 0 : i32
      %dma_wait3A_326 = tpu.memref_slice %arg12[%mul3A_319, %dma_wait3A_325] : memref<128x128xi32, #tpu.memory_space<vmem>> -> memref<64x128xi32, #tpu.memory_space<vmem>>
      %dma_wait3A_327 = arith.constant 0 : i32
      %dma_wait3A_328 = tpu.memref_slice %arg3[%dma_wait3A_327, %mul3A_317] : memref<64x100000xi32, #tpu.memory_space<hbm>> -> memref<64x128xi32, #tpu.memory_space<hbm>>
      tpu.wait_dma2 semaphore(%dma_wait3A_324 : memref<!tpu.dma_semaphore, #tpu.memory_space<semaphore_mem>>) src(%dma_wait3A_328 : memref<64x128xi32, #tpu.memory_space<hbm>>) dst(%dma_wait3A_326 : memref<64x128xi32, #tpu.memory_space<vmem>>)
      %mul3A_329 = arith.constant 64 : i32
      %mul3A_330 = arith.muli %rem3A_311, %mul3A_329 : i32
      %scan3A_331 = arith.constant 0 : i32
      %scan3A_332 = arith.constant 8 : i32
      %scan3A_333 = arith.addi %scan3A_331, %scan3A_332 : i32
      %scan3A_334 = arith.constant 1 : i32
      %scan3A_335:4 = scf.for %scan3A_337 = %scan3A_331 to %scan3A_333 step %scan3A_334 iter_args(%scan3A_338 = %while3A_305, %scan3A_339 = %while3A_306, %scan3A_340 = %while3A_307, %scan3A_341 = %while3A_308) -> (vector<16xf32>, vector<16xf32>, vector<16xf32>, vector<16xf32>)  : i32 {
        %mul3A_342 = arith.constant 128 : i32
        %mul3A_343 = arith.muli %add3A_309, %mul3A_342 : i32
        %mul3A_344 = arith.constant 16 : i32
        %mul3A_345 = arith.muli %scan3A_337, %mul3A_344 : i32
        %add3A_346 = arith.addi %mul3A_343, %mul3A_345 : i32
        %mul3A_347 = arith.constant 16 : i32
        %mul3A_348 = arith.muli %scan3A_337, %mul3A_347 : i32
        %sub3A_349 = arith.subi %add3A_346, %min3A_64 : i32
        %get3A_350 = arith.index_cast %add3A_346 : i32 to index
        %get3A_351 = tpu.vector_load %arg11[%get3A_350] {strides = array<i32>} : memref<100096xi32, #tpu.memory_space<vmem>>, vector<16xi32>,
        %scan3A_352 = arith.constant 0 : i32
        %scan3A_353 = arith.constant 8 : i32
        %scan3A_354 = arith.addi %scan3A_352, %scan3A_353 : i32
        %scan3A_355 = arith.constant 1 : i32
        %scan3A_356 = scf.for %scan3A_454 = %scan3A_352 to %scan3A_354 step %scan3A_355 iter_args(%scan3A_455 = %broadcast_in_dim3A_69) -> (vector<16xi32>)  : i32 {
          %mul3A_456 = arith.constant 8 : i32
          %mul3A_457 = arith.muli %scan3A_454, %mul3A_456 : i32
          %add3A_458 = arith.addi %mul3A_330, %mul3A_457 : i32
          %add3A_459 = arith.constant 0 : i32
          %add3A_460 = arith.addi %add3A_458, %add3A_459 : i32
          %get3A_461 = arith.index_cast %add3A_460 : i32 to index
          %get3A_462 = arith.index_cast %mul3A_348 : i32 to index
          %get3A_463 = tpu.vector_load %arg12[%get3A_461, %get3A_462] {strides = array<i32>} : memref<128x128xi32, #tpu.memory_space<vmem>>, vector<16xi32>,
          %gather3A = tpu.vector_load_idx %arg11[%get3A_463] : memref<100096xi32, #tpu.memory_space<vmem>>[vector<16xi32>], vector<16xi32>,
          %eq3A_464 = arith.cmpi eq, %gather3A, %get3A_351 : vector<16xi32>
          %convert_element_type3A_465 = arith.extui %eq3A_464 : vector<16xi1> to vector<16xi32>
          %add3A_466 = arith.addi %scan3A_455, %convert_element_type3A_465 : vector<16xi32>
          %mul3A_467 = arith.constant 8 : i32
          %mul3A_468 = arith.muli %scan3A_454, %mul3A_467 : i32
          %add3A_469 = arith.addi %mul3A_330, %mul3A_468 : i32
          %add3A_470 = arith.constant 1 : i32
          %add3A_471 = arith.addi %add3A_469, %add3A_470 : i32
          %get3A_472 = arith.index_cast %add3A_471 : i32 to index
          %get3A_473 = arith.index_cast %mul3A_348 : i32 to index
          %get3A_474 = tpu.vector_load %arg12[%get3A_472, %get3A_473] {strides = array<i32>} : memref<128x128xi32, #tpu.memory_space<vmem>>, vector<16xi32>,
          %gather3A_475 = tpu.vector_load_idx %arg11[%get3A_474] : memref<100096xi32, #tpu.memory_space<vmem>>[vector<16xi32>], vector<16xi32>,
          %eq3A_476 = arith.cmpi eq, %gather3A_475, %get3A_351 : vector<16xi32>
          %convert_element_type3A_477 = arith.extui %eq3A_476 : vector<16xi1> to vector<16xi32>
          %add3A_478 = arith.addi %add3A_466, %convert_element_type3A_477 : vector<16xi32>
          %mul3A_479 = arith.constant 8 : i32
          %mul3A_480 = arith.muli %scan3A_454, %mul3A_479 : i32
          %add3A_481 = arith.addi %mul3A_330, %mul3A_480 : i32
          %add3A_482 = arith.constant 2 : i32
          %add3A_483 = arith.addi %add3A_481, %add3A_482 : i32
          %get3A_484 = arith.index_cast %add3A_483 : i32 to index
          %get3A_485 = arith.index_cast %mul3A_348 : i32 to index
          %get3A_486 = tpu.vector_load %arg12[%get3A_484, %get3A_485] {strides = array<i32>} : memref<128x128xi32, #tpu.memory_space<vmem>>, vector<16xi32>,
          %gather3A_487 = tpu.vector_load_idx %arg11[%get3A_486] : memref<100096xi32, #tpu.memory_space<vmem>>[vector<16xi32>], vector<16xi32>,
          %eq3A_488 = arith.cmpi eq, %gather3A_487, %get3A_351 : vector<16xi32>
          %convert_element_type3A_489 = arith.extui %eq3A_488 : vector<16xi1> to vector<16xi32>
          %add3A_490 = arith.addi %add3A_478, %convert_element_type3A_489 : vector<16xi32>
          %mul3A_491 = arith.constant 8 : i32
          %mul3A_492 = arith.muli %scan3A_454, %mul3A_491 : i32
          %add3A_493 = arith.addi %mul3A_330, %mul3A_492 : i32
          %add3A_494 = arith.constant 3 : i32
          %add3A_495 = arith.addi %add3A_493, %add3A_494 : i32
          %get3A_496 = arith.index_cast %add3A_495 : i32 to index
          %get3A_497 = arith.index_cast %mul3A_348 : i32 to index
          %get3A_498 = tpu.vector_load %arg12[%get3A_496, %get3A_497] {strides = array<i32>} : memref<128x128xi32, #tpu.memory_space<vmem>>, vector<16xi32>,
          %gather3A_499 = tpu.vector_load_idx %arg11[%get3A_498] : memref<100096xi32, #tpu.memory_space<vmem>>[vector<16xi32>], vector<16xi32>,
          %eq3A_500 = arith.cmpi eq, %gather3A_499, %get3A_351 : vector<16xi32>
          %convert_element_type3A_501 = arith.extui %eq3A_500 : vector<16xi1> to vector<16xi32>
          %add3A_502 = arith.addi %add3A_490, %convert_element_type3A_501 : vector<16xi32>
          %mul3A_503 = arith.constant 8 : i32
          %mul3A_504 = arith.muli %scan3A_454, %mul3A_503 : i32
          %add3A_505 = arith.addi %mul3A_330, %mul3A_504 : i32
          %add3A_506 = arith.constant 4 : i32
          %add3A_507 = arith.addi %add3A_505, %add3A_506 : i32
          %get3A_508 = arith.index_cast %add3A_507 : i32 to index
          %get3A_509 = arith.index_cast %mul3A_348 : i32 to index
          %get3A_510 = tpu.vector_load %arg12[%get3A_508, %get3A_509] {strides = array<i32>} : memref<128x128xi32, #tpu.memory_space<vmem>>, vector<16xi32>,
          %gather3A_511 = tpu.vector_load_idx %arg11[%get3A_510] : memref<100096xi32, #tpu.memory_space<vmem>>[vector<16xi32>], vector<16xi32>,
          %eq3A_512 = arith.cmpi eq, %gather3A_511, %get3A_351 : vector<16xi32>
          %convert_element_type3A_513 = arith.extui %eq3A_512 : vector<16xi1> to vector<16xi32>
          %add3A_514 = arith.addi %add3A_502, %convert_element_type3A_513 : vector<16xi32>
          %mul3A_515 = arith.constant 8 : i32
          %mul3A_516 = arith.muli %scan3A_454, %mul3A_515 : i32
          %add3A_517 = arith.addi %mul3A_330, %mul3A_516 : i32
          %add3A_518 = arith.constant 5 : i32
          %add3A_519 = arith.addi %add3A_517, %add3A_518 : i32
          %get3A_520 = arith.index_cast %add3A_519 : i32 to index
          %get3A_521 = arith.index_cast %mul3A_348 : i32 to index
          %get3A_522 = tpu.vector_load %arg12[%get3A_520, %get3A_521] {strides = array<i32>} : memref<128x128xi32, #tpu.memory_space<vmem>>, vector<16xi32>,
          %gather3A_523 = tpu.vector_load_idx %arg11[%get3A_522] : memref<100096xi32, #tpu.memory_space<vmem>>[vector<16xi32>], vector<16xi32>,
          %eq3A_524 = arith.cmpi eq, %gather3A_523, %get3A_351 : vector<16xi32>
          %convert_element_type3A_525 = arith.extui %eq3A_524 : vector<16xi1> to vector<16xi32>
          %add3A_526 = arith.addi %add3A_514, %convert_element_type3A_525 : vector<16xi32>
          %mul3A_527 = arith.constant 8 : i32
          %mul3A_528 = arith.muli %scan3A_454, %mul3A_527 : i32
          %add3A_529 = arith.addi %mul3A_330, %mul3A_528 : i32
          %add3A_530 = arith.constant 6 : i32
          %add3A_531 = arith.addi %add3A_529, %add3A_530 : i32
          %get3A_532 = arith.index_cast %add3A_531 : i32 to index
          %get3A_533 = arith.index_cast %mul3A_348 : i32 to index
          %get3A_534 = tpu.vector_load %arg12[%get3A_532, %get3A_533] {strides = array<i32>} : memref<128x128xi32, #tpu.memory_space<vmem>>, vector<16xi32>,
          %gather3A_535 = tpu.vector_load_idx %arg11[%get3A_534] : memref<100096xi32, #tpu.memory_space<vmem>>[vector<16xi32>], vector<16xi32>,
          %eq3A_536 = arith.cmpi eq, %gather3A_535, %get3A_351 : vector<16xi32>
          %convert_element_type3A_537 = arith.extui %eq3A_536 : vector<16xi1> to vector<16xi32>
          %add3A_538 = arith.addi %add3A_526, %convert_element_type3A_537 : vector<16xi32>
          %mul3A_539 = arith.constant 8 : i32
          %mul3A_540 = arith.muli %scan3A_454, %mul3A_539 : i32
          %add3A_541 = arith.addi %mul3A_330, %mul3A_540 : i32
          %add3A_542 = arith.constant 7 : i32
          %add3A_543 = arith.addi %add3A_541, %add3A_542 : i32
          %get3A_544 = arith.index_cast %add3A_543 : i32 to index
          %get3A_545 = arith.index_cast %mul3A_348 : i32 to index
          %get3A_546 = tpu.vector_load %arg12[%get3A_544, %get3A_545] {strides = array<i32>} : memref<128x128xi32, #tpu.memory_space<vmem>>, vector<16xi32>,
          %gather3A_547 = tpu.vector_load_idx %arg11[%get3A_546] : memref<100096xi32, #tpu.memory_space<vmem>>[vector<16xi32>], vector<16xi32>,
          %eq3A_548 = arith.cmpi eq, %gather3A_547, %get3A_351 : vector<16xi32>
          %convert_element_type3A_549 = arith.extui %eq3A_548 : vector<16xi1> to vector<16xi32>
          %add3A_550 = arith.addi %add3A_538, %convert_element_type3A_549 : vector<16xi32>
          scf.yield %add3A_550 : vector<16xi32>
        }
        %scan3A_357 = arith.constant 8 : i32
        %mul3A_358 = arith.constant 10 : i32
        %mul3A_359 = vector.broadcast %mul3A_358 : i32 to vector<16xi32>
        %mul3A_360 = arith.muli %scan3A_356, %mul3A_359 : vector<16xi32>
        %gt3A_361 = arith.constant 576 : i32
        %gt3A_362 = vector.broadcast %gt3A_361 : i32 to vector<16xi32>
        %gt3A_363 = arith.cmpi sgt, %mul3A_360, %gt3A_362 : vector<16xi32>
        %get3A_364 = arith.index_cast %sub3A_349 : i32 to index
        %get3A_365 = tpu.vector_load %arg13[%get3A_364] {strides = array<i32>} : memref<3328xf32, #tpu.memory_space<vmem>>, vector<16xf32>,
        %jit3A_366 = arith.constant 1.000000e-07 : f32
        %jit3A_367 = arith.constant 0.99999988 : f32
        %max3A_368 = vector.broadcast %jit3A_366 : f32 to vector<16xf32>
        %max3A_369 = arith.maximumf %max3A_368, %get3A_365 : vector<16xf32>
        %min3A_370 = vector.broadcast %jit3A_367 : f32 to vector<16xf32>
        %min3A_371 = arith.minimumf %min3A_370, %max3A_369 : vector<16xf32>
        %sub3A_372 = arith.constant 1.000000e+00 : f32
        %sub3A_373 = vector.broadcast %sub3A_372 : f32 to vector<16xf32>
        %sub3A_374 = arith.subf %sub3A_373, %min3A_371 : vector<16xf32>
        %select_n3A_375 = arith.select %gt3A_363, %min3A_371, %sub3A_374 : vector<16xi1>, vector<16xf32>
        %bitcast3A_376 = vector.bitcast %select_n3A_375 : vector<16xf32> to vector<16xi32>
        %shift_right_arithmetic3A_377 = arith.constant 23 : i32
        %shift_right_arithmetic3A_378 = vector.broadcast %shift_right_arithmetic3A_377 : i32 to vector<16xi32>
        %shift_right_arithmetic3A_379 = arith.shrsi %bitcast3A_376, %shift_right_arithmetic3A_378 : vector<16xi32>
        %sub3A_380 = arith.constant 127 : i32
        %sub3A_381 = vector.broadcast %sub3A_380 : i32 to vector<16xi32>
        %sub3A_382 = arith.subi %shift_right_arithmetic3A_379, %sub3A_381 : vector<16xi32>
        %and3A_383 = arith.constant 8388607 : i32
        %and3A_384 = vector.broadcast %and3A_383 : i32 to vector<16xi32>
        %and3A_385 = arith.andi %bitcast3A_376, %and3A_384 : vector<16xi32>
        %or3A_386 = arith.constant 1065353216 : i32
        %or3A_387 = vector.broadcast %or3A_386 : i32 to vector<16xi32>
        %or3A_388 = arith.ori %and3A_385, %or3A_387 : vector<16xi32>
        %bitcast3A_389 = vector.bitcast %or3A_388 : vector<16xi32> to vector<16xf32>
        %gt3A_390 = arith.constant 1.41421354 : f32
        %gt3A_391 = vector.broadcast %gt3A_390 : f32 to vector<16xf32>
        %gt3A_392 = arith.cmpf ogt, %bitcast3A_389, %gt3A_391 : vector<16xf32>
        %mul3A_393 = arith.constant 5.000000e-01 : f32
        %mul3A_394 = vector.broadcast %mul3A_393 : f32 to vector<16xf32>
        %mul3A_395 = arith.mulf %bitcast3A_389, %mul3A_394 : vector<16xf32>
        %select_n3A_396 = arith.select %gt3A_392, %mul3A_395, %bitcast3A_389 : vector<16xi1>, vector<16xf32>
        %convert_element_type3A_397 = arith.extui %gt3A_392 : vector<16xi1> to vector<16xi32>
        %add3A_398 = arith.addi %sub3A_382, %convert_element_type3A_397 : vector<16xi32>
        %convert_element_type3A_399 = arith.sitofp %add3A_398 : vector<16xi32> to vector<16xf32>
        %sub3A_400 = arith.constant 1.000000e+00 : f32
        %sub3A_401 = vector.broadcast %sub3A_400 : f32 to vector<16xf32>
        %sub3A_402 = arith.subf %select_n3A_396, %sub3A_401 : vector<16xf32>
        %add3A_403 = arith.constant 1.000000e+00 : f32
        %add3A_404 = vector.broadcast %add3A_403 : f32 to vector<16xf32>
        %add3A_405 = arith.addf %select_n3A_396, %add3A_404 : vector<16xf32>
        %div3A_406 = arith.divf %sub3A_402, %add3A_405 : vector<16xf32>
        %mul3A_407 = arith.mulf %div3A_406, %div3A_406 : vector<16xf32>
        %mul3A_408 = arith.constant 2.000000e+00 : f32
        %mul3A_409 = vector.broadcast %mul3A_408 : f32 to vector<16xf32>
        %mul3A_410 = arith.mulf %mul3A_409, %div3A_406 : vector<16xf32>
        %mul3A_411 = arith.constant 0.111111112 : f32
        %mul3A_412 = vector.broadcast %mul3A_411 : f32 to vector<16xf32>
        %mul3A_413 = arith.mulf %mul3A_407, %mul3A_412 : vector<16xf32>
        %add3A_414 = arith.constant 0.142857149 : f32
        %add3A_415 = vector.broadcast %add3A_414 : f32 to vector<16xf32>
        %add3A_416 = arith.addf %add3A_415, %mul3A_413 : vector<16xf32>
        %mul3A_417 = arith.mulf %mul3A_407, %add3A_416 : vector<16xf32>
        %add3A_418 = arith.constant 2.000000e-01 : f32
        %add3A_419 = vector.broadcast %add3A_418 : f32 to vector<16xf32>
        %add3A_420 = arith.addf %add3A_419, %mul3A_417 : vector<16xf32>
        %mul3A_421 = arith.mulf %mul3A_407, %add3A_420 : vector<16xf32>
        %add3A_422 = arith.constant 0.333333343 : f32
        %add3A_423 = vector.broadcast %add3A_422 : f32 to vector<16xf32>
        %add3A_424 = arith.addf %add3A_423, %mul3A_421 : vector<16xf32>
        %mul3A_425 = arith.mulf %mul3A_407, %add3A_424 : vector<16xf32>
        %add3A_426 = arith.constant 1.000000e+00 : f32
        %add3A_427 = vector.broadcast %add3A_426 : f32 to vector<16xf32>
        %add3A_428 = arith.addf %add3A_427, %mul3A_425 : vector<16xf32>
        %mul3A_429 = arith.mulf %mul3A_410, %add3A_428 : vector<16xf32>
        %mul3A_430 = arith.constant 0.693147182 : f32
        %mul3A_431 = vector.broadcast %mul3A_430 : f32 to vector<16xf32>
        %mul3A_432 = arith.mulf %convert_element_type3A_399, %mul3A_431 : vector<16xf32>
        %add3A_433 = arith.addf %mul3A_432, %mul3A_429 : vector<16xf32>
        %neg3A_434 = arith.constant 0.000000e+00 : f32
        %neg3A_435 = vector.broadcast %neg3A_434 : f32 to vector<16xf32>
        %neg3A_436 = arith.subf %neg3A_435, %add3A_433 : vector<16xf32>
        %get3A_437 = arith.index_cast %sub3A_349 : i32 to index
        %get3A_438 = tpu.vector_load %arg14[%get3A_437] {strides = array<i32>} : memref<3328xf32, #tpu.memory_space<vmem>>, vector<16xf32>,
        %ge3A_439 = arith.constant 0 : i32
        %ge3A_440 = vector.broadcast %ge3A_439 : i32 to vector<16xi32>
        %ge3A_441 = arith.cmpi sge, %get3A_351, %ge3A_440 : vector<16xi32>
        %convert_element_type3A_442 = arith.extui %ge3A_441 : vector<16xi1> to vector<16xi32>
        %convert_element_type3A_443 = arith.sitofp %convert_element_type3A_442 : vector<16xi32> to vector<16xf32>
        %mul3A_444 = arith.mulf %get3A_438, %convert_element_type3A_443 : vector<16xf32>
        %sub3A_445 = arith.constant 1.000000e+00 : f32
        %sub3A_446 = vector.broadcast %sub3A_445 : f32 to vector<16xf32>
        %sub3A_447 = arith.subf %sub3A_446, %convert_element_type3A_443 : vector<16xf32>
        %mul3A_448 = arith.mulf %mul3A_444, %neg3A_436 : vector<16xf32>
        %add3A_449 = arith.addf %scan3A_338, %mul3A_448 : vector<16xf32>
        %add3A_450 = arith.addf %scan3A_339, %mul3A_444 : vector<16xf32>
        %mul3A_451 = arith.mulf %sub3A_447, %neg3A_436 : vector<16xf32>
        %add3A_452 = arith.addf %scan3A_340, %mul3A_451 : vector<16xf32>
        %add3A_453 = arith.addf %scan3A_341, %sub3A_447 : vector<16xf32>
        scf.yield %add3A_449, %add3A_450, %add3A_452, %add3A_453 : vector<16xf32>, vector<16xf32>, vector<16xf32>, vector<16xf32>
      }
      %scan3A_336 = arith.constant 8 : i32
      scf.yield %scan3A_335#0, %scan3A_335#1, %scan3A_335#2, %scan3A_335#3 : vector<16xf32>, vector<16xf32>, vector<16xf32>, vector<16xf32>
    }
    "tpu.region"() ({
      %run_scoped3A_304 = tpu.sem_alloc : memref<!tpu.dma_semaphore, #tpu.memory_space<semaphore_mem>>
      %dma_start3A_305 = arith.constant 0 : i32
      %dma_start3A_306 = arith.constant 0 : i32
      %dma_start3A_307 = tpu.memref_slice %arg12[%dma_start3A_305, %dma_start3A_306] : memref<128x128xi32, #tpu.memory_space<vmem>> -> memref<64x128xi32, #tpu.memory_space<vmem>>
      %dma_start3A_308 = arith.constant 0 : i32
      %dma_start3A_309 = arith.constant 0 : i32
      %dma_start3A_310 = tpu.memref_slice %arg12[%dma_start3A_308, %dma_start3A_309] : memref<128x128xi32, #tpu.memory_space<vmem>> -> memref<64x128xi32, #tpu.memory_space<vmem>>
      tpu.enqueue_dma source(%arg6 : memref<64x128xi32, #tpu.memory_space<hbm>>) target(%dma_start3A_310 : memref<64x128xi32, #tpu.memory_space<vmem>>) target_semaphore(%run_scoped3A_304 : memref<!tpu.dma_semaphore, #tpu.memory_space<semaphore_mem>>)
      %dma_wait3A = arith.constant 0 : i32
      %dma_wait3A_311 = arith.constant 0 : i32
      %dma_wait3A_312 = tpu.memref_slice %arg12[%dma_wait3A, %dma_wait3A_311] : memref<128x128xi32, #tpu.memory_space<vmem>> -> memref<64x128xi32, #tpu.memory_space<vmem>>
      %dma_wait3A_313 = arith.constant 0 : i32
      %dma_wait3A_314 = arith.constant 0 : i32
      %dma_wait3A_315 = tpu.memref_slice %arg12[%dma_wait3A_313, %dma_wait3A_314] : memref<128x128xi32, #tpu.memory_space<vmem>> -> memref<64x128xi32, #tpu.memory_space<vmem>>
      tpu.wait_dma2 semaphore(%run_scoped3A_304 : memref<!tpu.dma_semaphore, #tpu.memory_space<semaphore_mem>>) src(%arg6 : memref<64x128xi32, #tpu.memory_space<hbm>>) dst(%dma_wait3A_315 : memref<64x128xi32, #tpu.memory_space<vmem>>)
      tpu.yield
    }) : () -> ()
    %run_scoped3A_81 = arith.constant 0 : i32
    "tpu.region"() ({
      %run_scoped3A_304 = tpu.sem_alloc : memref<!tpu.dma_semaphore, #tpu.memory_space<semaphore_mem>>
      %dma_start3A_305 = arith.constant 0 : i32
      %dma_start3A_306 = tpu.memref_slice %arg7[%run_scoped3A_81, %dma_start3A_305] : memref<1x128xf32, #tpu.memory_space<hbm>> -> memref<1x128xf32, #tpu.memory_space<hbm>>
      %dma_start3A_307 = tpu.memref_squeeze %dma_start3A_306 : memref<1x128xf32, #tpu.memory_space<hbm>> -> memref<128xf32, #tpu.memory_space<hbm>>
      %dma_start3A_308 = arith.constant 0 : i32
      %dma_start3A_309 = tpu.memref_slice %arg7[%run_scoped3A_81, %dma_start3A_308] : memref<1x128xf32, #tpu.memory_space<hbm>> -> memref<1x128xf32, #tpu.memory_space<hbm>>
      %dma_start3A_310 = tpu.memref_squeeze %dma_start3A_309 : memref<1x128xf32, #tpu.memory_space<hbm>> -> memref<128xf32, #tpu.memory_space<hbm>>
      tpu.enqueue_dma source(%dma_start3A_310 : memref<128xf32, #tpu.memory_space<hbm>>) target(%arg15 : memref<128xf32, #tpu.memory_space<vmem>>) target_semaphore(%run_scoped3A_304 : memref<!tpu.dma_semaphore, #tpu.memory_space<semaphore_mem>>)
      %dma_wait3A = arith.constant 0 : i32
      %dma_wait3A_311 = tpu.memref_slice %arg7[%run_scoped3A_81, %dma_wait3A] : memref<1x128xf32, #tpu.memory_space<hbm>> -> memref<1x128xf32, #tpu.memory_space<hbm>>
      %dma_wait3A_312 = tpu.memref_squeeze %dma_wait3A_311 : memref<1x128xf32, #tpu.memory_space<hbm>> -> memref<128xf32, #tpu.memory_space<hbm>>
      %dma_wait3A_313 = arith.constant 0 : i32
      %dma_wait3A_314 = tpu.memref_slice %arg7[%run_scoped3A_81, %dma_wait3A_313] : memref<1x128xf32, #tpu.memory_space<hbm>> -> memref<1x128xf32, #tpu.memory_space<hbm>>
      %dma_wait3A_315 = tpu.memref_squeeze %dma_wait3A_314 : memref<1x128xf32, #tpu.memory_space<hbm>> -> memref<128xf32, #tpu.memory_space<hbm>>
      tpu.wait_dma2 semaphore(%run_scoped3A_304 : memref<!tpu.dma_semaphore, #tpu.memory_space<semaphore_mem>>) src(%dma_wait3A_315 : memref<128xf32, #tpu.memory_space<hbm>>) dst(%arg15 : memref<128xf32, #tpu.memory_space<vmem>>)
      tpu.yield
    }) : () -> ()
    %run_scoped3A_82 = arith.constant 0 : i32
    "tpu.region"() ({
      %run_scoped3A_304 = tpu.sem_alloc : memref<!tpu.dma_semaphore, #tpu.memory_space<semaphore_mem>>
      %dma_start3A_305 = arith.constant 0 : i32
      %dma_start3A_306 = tpu.memref_slice %arg8[%run_scoped3A_82, %dma_start3A_305] : memref<1x128xf32, #tpu.memory_space<hbm>> -> memref<1x128xf32, #tpu.memory_space<hbm>>
      %dma_start3A_307 = tpu.memref_squeeze %dma_start3A_306 : memref<1x128xf32, #tpu.memory_space<hbm>> -> memref<128xf32, #tpu.memory_space<hbm>>
      %dma_start3A_308 = arith.constant 0 : i32
      %dma_start3A_309 = tpu.memref_slice %arg8[%run_scoped3A_82, %dma_start3A_308] : memref<1x128xf32, #tpu.memory_space<hbm>> -> memref<1x128xf32, #tpu.memory_space<hbm>>
      %dma_start3A_310 = tpu.memref_squeeze %dma_start3A_309 : memref<1x128xf32, #tpu.memory_space<hbm>> -> memref<128xf32, #tpu.memory_space<hbm>>
      tpu.enqueue_dma source(%dma_start3A_310 : memref<128xf32, #tpu.memory_space<hbm>>) target(%arg16 : memref<128xf32, #tpu.memory_space<vmem>>) target_semaphore(%run_scoped3A_304 : memref<!tpu.dma_semaphore, #tpu.memory_space<semaphore_mem>>)
      %dma_wait3A = arith.constant 0 : i32
      %dma_wait3A_311 = tpu.memref_slice %arg8[%run_scoped3A_82, %dma_wait3A] : memref<1x128xf32, #tpu.memory_space<hbm>> -> memref<1x128xf32, #tpu.memory_space<hbm>>
      %dma_wait3A_312 = tpu.memref_squeeze %dma_wait3A_311 : memref<1x128xf32, #tpu.memory_space<hbm>> -> memref<128xf32, #tpu.memory_space<hbm>>
      %dma_wait3A_313 = arith.constant 0 : i32
      %dma_wait3A_314 = tpu.memref_slice %arg8[%run_scoped3A_82, %dma_wait3A_313] : memref<1x128xf32, #tpu.memory_space<hbm>> -> memref<1x128xf32, #tpu.memory_space<hbm>>
      %dma_wait3A_315 = tpu.memref_squeeze %dma_wait3A_314 : memref<1x128xf32, #tpu.memory_space<hbm>> -> memref<128xf32, #tpu.memory_space<hbm>>
      tpu.wait_dma2 semaphore(%run_scoped3A_304 : memref<!tpu.dma_semaphore, #tpu.memory_space<semaphore_mem>>) src(%dma_wait3A_315 : memref<128xf32, #tpu.memory_space<hbm>>) dst(%arg16 : memref<128xf32, #tpu.memory_space<vmem>>)
      tpu.yield
    }) : () -> ()
    %eq3A = arith.constant 31 : i32
    %eq3A_83 = arith.cmpi eq, %add3A, %eq3A : i32
    %jit3A_84 = arith.constant 1.000000e+00 : f32
    %jit3A_85 = arith.constant 0.000000e+00 : f32
    %select_n3A_86 = arith.select %eq3A_83, %jit3A_84, %jit3A_85 : f32
    %get3A = arith.constant 99968 : index
    %get3A_87 = tpu.vector_load %arg11[%get3A] {strides = array<i32>} : memref<100096xi32, #tpu.memory_space<vmem>>, vector<16xi32>,
    %scan3A = arith.constant 0 : i32
    %scan3A_88 = arith.constant 8 : i32
    %scan3A_89 = arith.addi %scan3A, %scan3A_88 : i32
    %scan3A_90 = arith.constant 1 : i32
    %scan3A_91 = scf.for %scan3A_304 = %scan3A to %scan3A_89 step %scan3A_90 iter_args(%scan3A_305 = %broadcast_in_dim3A_69) -> (vector<16xi32>)  : i32 {
      %mul3A_306 = arith.constant 8 : i32
      %mul3A_307 = arith.muli %scan3A_304, %mul3A_306 : i32
      %add3A_308 = arith.constant 0 : i32
      %add3A_309 = arith.addi %add3A_308, %mul3A_307 : i32
      %add3A_310 = arith.constant 0 : i32
      %add3A_311 = arith.addi %add3A_309, %add3A_310 : i32
      %get3A_312 = arith.index_cast %add3A_311 : i32 to index
      %get3A_313 = arith.constant 0 : index
      %get3A_314 = tpu.vector_load %arg12[%get3A_312, %get3A_313] {strides = array<i32>} : memref<128x128xi32, #tpu.memory_space<vmem>>, vector<16xi32>,
      %gather3A = tpu.vector_load_idx %arg11[%get3A_314] : memref<100096xi32, #tpu.memory_space<vmem>>[vector<16xi32>], vector<16xi32>,
      %eq3A_315 = arith.cmpi eq, %gather3A, %get3A_87 : vector<16xi32>
      %convert_element_type3A_316 = arith.extui %eq3A_315 : vector<16xi1> to vector<16xi32>
      %add3A_317 = arith.addi %scan3A_305, %convert_element_type3A_316 : vector<16xi32>
      %mul3A_318 = arith.constant 8 : i32
      %mul3A_319 = arith.muli %scan3A_304, %mul3A_318 : i32
      %add3A_320 = arith.constant 0 : i32
      %add3A_321 = arith.addi %add3A_320, %mul3A_319 : i32
      %add3A_322 = arith.constant 1 : i32
      %add3A_323 = arith.addi %add3A_321, %add3A_322 : i32
      %get3A_324 = arith.index_cast %add3A_323 : i32 to index
      %get3A_325 = arith.constant 0 : index
      %get3A_326 = tpu.vector_load %arg12[%get3A_324, %get3A_325] {strides = array<i32>} : memref<128x128xi32, #tpu.memory_space<vmem>>, vector<16xi32>,
      %gather3A_327 = tpu.vector_load_idx %arg11[%get3A_326] : memref<100096xi32, #tpu.memory_space<vmem>>[vector<16xi32>], vector<16xi32>,
      %eq3A_328 = arith.cmpi eq, %gather3A_327, %get3A_87 : vector<16xi32>
      %convert_element_type3A_329 = arith.extui %eq3A_328 : vector<16xi1> to vector<16xi32>
      %add3A_330 = arith.addi %add3A_317, %convert_element_type3A_329 : vector<16xi32>
      %mul3A_331 = arith.constant 8 : i32
      %mul3A_332 = arith.muli %scan3A_304, %mul3A_331 : i32
      %add3A_333 = arith.constant 0 : i32
      %add3A_334 = arith.addi %add3A_333, %mul3A_332 : i32
      %add3A_335 = arith.constant 2 : i32
      %add3A_336 = arith.addi %add3A_334, %add3A_335 : i32
      %get3A_337 = arith.index_cast %add3A_336 : i32 to index
      %get3A_338 = arith.constant 0 : index
      %get3A_339 = tpu.vector_load %arg12[%get3A_337, %get3A_338] {strides = array<i32>} : memref<128x128xi32, #tpu.memory_space<vmem>>, vector<16xi32>,
      %gather3A_340 = tpu.vector_load_idx %arg11[%get3A_339] : memref<100096xi32, #tpu.memory_space<vmem>>[vector<16xi32>], vector<16xi32>,
      %eq3A_341 = arith.cmpi eq, %gather3A_340, %get3A_87 : vector<16xi32>
      %convert_element_type3A_342 = arith.extui %eq3A_341 : vector<16xi1> to vector<16xi32>
      %add3A_343 = arith.addi %add3A_330, %convert_element_type3A_342 : vector<16xi32>
      %mul3A_344 = arith.constant 8 : i32
      %mul3A_345 = arith.muli %scan3A_304, %mul3A_344 : i32
      %add3A_346 = arith.constant 0 : i32
      %add3A_347 = arith.addi %add3A_346, %mul3A_345 : i32
      %add3A_348 = arith.constant 3 : i32
      %add3A_349 = arith.addi %add3A_347, %add3A_348 : i32
      %get3A_350 = arith.index_cast %add3A_349 : i32 to index
      %get3A_351 = arith.constant 0 : index
      %get3A_352 = tpu.vector_load %arg12[%get3A_350, %get3A_351] {strides = array<i32>} : memref<128x128xi32, #tpu.memory_space<vmem>>, vector<16xi32>,
      %gather3A_353 = tpu.vector_load_idx %arg11[%get3A_352] : memref<100096xi32, #tpu.memory_space<vmem>>[vector<16xi32>], vector<16xi32>,
      %eq3A_354 = arith.cmpi eq, %gather3A_353, %get3A_87 : vector<16xi32>
      %convert_element_type3A_355 = arith.extui %eq3A_354 : vector<16xi1> to vector<16xi32>
      %add3A_356 = arith.addi %add3A_343, %convert_element_type3A_355 : vector<16xi32>
      %mul3A_357 = arith.constant 8 : i32
      %mul3A_358 = arith.muli %scan3A_304, %mul3A_357 : i32
      %add3A_359 = arith.constant 0 : i32
      %add3A_360 = arith.addi %add3A_359, %mul3A_358 : i32
      %add3A_361 = arith.constant 4 : i32
      %add3A_362 = arith.addi %add3A_360, %add3A_361 : i32
      %get3A_363 = arith.index_cast %add3A_362 : i32 to index
      %get3A_364 = arith.constant 0 : index
      %get3A_365 = tpu.vector_load %arg12[%get3A_363, %get3A_364] {strides = array<i32>} : memref<128x128xi32, #tpu.memory_space<vmem>>, vector<16xi32>,
      %gather3A_366 = tpu.vector_load_idx %arg11[%get3A_365] : memref<100096xi32, #tpu.memory_space<vmem>>[vector<16xi32>], vector<16xi32>,
      %eq3A_367 = arith.cmpi eq, %gather3A_366, %get3A_87 : vector<16xi32>
      %convert_element_type3A_368 = arith.extui %eq3A_367 : vector<16xi1> to vector<16xi32>
      %add3A_369 = arith.addi %add3A_356, %convert_element_type3A_368 : vector<16xi32>
      %mul3A_370 = arith.constant 8 : i32
      %mul3A_371 = arith.muli %scan3A_304, %mul3A_370 : i32
      %add3A_372 = arith.constant 0 : i32
      %add3A_373 = arith.addi %add3A_372, %mul3A_371 : i32
      %add3A_374 = arith.constant 5 : i32
      %add3A_375 = arith.addi %add3A_373, %add3A_374 : i32
      %get3A_376 = arith.index_cast %add3A_375 : i32 to index
      %get3A_377 = arith.constant 0 : index
      %get3A_378 = tpu.vector_load %arg12[%get3A_376, %get3A_377] {strides = array<i32>} : memref<128x128xi32, #tpu.memory_space<vmem>>, vector<16xi32>,
      %gather3A_379 = tpu.vector_load_idx %arg11[%get3A_378] : memref<100096xi32, #tpu.memory_space<vmem>>[vector<16xi32>], vector<16xi32>,
      %eq3A_380 = arith.cmpi eq, %gather3A_379, %get3A_87 : vector<16xi32>
      %convert_element_type3A_381 = arith.extui %eq3A_380 : vector<16xi1> to vector<16xi32>
      %add3A_382 = arith.addi %add3A_369, %convert_element_type3A_381 : vector<16xi32>
      %mul3A_383 = arith.constant 8 : i32
      %mul3A_384 = arith.muli %scan3A_304, %mul3A_383 : i32
      %add3A_385 = arith.constant 0 : i32
      %add3A_386 = arith.addi %add3A_385, %mul3A_384 : i32
      %add3A_387 = arith.constant 6 : i32
      %add3A_388 = arith.addi %add3A_386, %add3A_387 : i32
      %get3A_389 = arith.index_cast %add3A_388 : i32 to index
      %get3A_390 = arith.constant 0 : index
      %get3A_391 = tpu.vector_load %arg12[%get3A_389, %get3A_390] {strides = array<i32>} : memref<128x128xi32, #tpu.memory_space<vmem>>, vector<16xi32>,
      %gather3A_392 = tpu.vector_load_idx %arg11[%get3A_391] : memref<100096xi32, #tpu.memory_space<vmem>>[vector<16xi32>], vector<16xi32>,
      %eq3A_393 = arith.cmpi eq, %gather3A_392, %get3A_87 : vector<16xi32>
      %convert_element_type3A_394 = arith.extui %eq3A_393 : vector<16xi1> to vector<16xi32>
      %add3A_395 = arith.addi %add3A_382, %convert_element_type3A_394 : vector<16xi32>
      %mul3A_396 = arith.constant 8 : i32
      %mul3A_397 = arith.muli %scan3A_304, %mul3A_396 : i32
      %add3A_398 = arith.constant 0 : i32
      %add3A_399 = arith.addi %add3A_398, %mul3A_397 : i32
      %add3A_400 = arith.constant 7 : i32
      %add3A_401 = arith.addi %add3A_399, %add3A_400 : i32
      %get3A_402 = arith.index_cast %add3A_401 : i32 to index
      %get3A_403 = arith.constant 0 : index
      %get3A_404 = tpu.vector_load %arg12[%get3A_402, %get3A_403] {strides = array<i32>} : memref<128x128xi32, #tpu.memory_space<vmem>>, vector<16xi32>,
      %gather3A_405 = tpu.vector_load_idx %arg11[%get3A_404] : memref<100096xi32, #tpu.memory_space<vmem>>[vector<16xi32>], vector<16xi32>,
      %eq3A_406 = arith.cmpi eq, %gather3A_405, %get3A_87 : vector<16xi32>
      %convert_element_type3A_407 = arith.extui %eq3A_406 : vector<16xi1> to vector<16xi32>
      %add3A_408 = arith.addi %add3A_395, %convert_element_type3A_407 : vector<16xi32>
      scf.yield %add3A_408 : vector<16xi32>
    }
    %scan3A_92 = arith.constant 8 : i32
    %mul3A_93 = arith.constant 10 : i32
    %mul3A_94 = vector.broadcast %mul3A_93 : i32 to vector<16xi32>
    %mul3A_95 = arith.muli %scan3A_91, %mul3A_94 : vector<16xi32>
    %gt3A = arith.constant 576 : i32
    %gt3A_96 = vector.broadcast %gt3A : i32 to vector<16xi32>
    %gt3A_97 = arith.cmpi sgt, %mul3A_95, %gt3A_96 : vector<16xi32>
    %get3A_98 = arith.constant 0 : index
    %get3A_99 = tpu.vector_load %arg15[%get3A_98] {strides = array<i32>} : memref<128xf32, #tpu.memory_space<vmem>>, vector<16xf32>,
    %jit3A_100 = arith.constant 1.000000e-07 : f32
    %jit3A_101 = arith.constant 0.99999988 : f32
    %max3A = vector.broadcast %jit3A_100 : f32 to vector<16xf32>
    %max3A_102 = arith.maximumf %max3A, %get3A_99 : vector<16xf32>
    %min3A_103 = vector.broadcast %jit3A_101 : f32 to vector<16xf32>
    %min3A_104 = arith.minimumf %min3A_103, %max3A_102 : vector<16xf32>
    %sub3A_105 = arith.constant 1.000000e+00 : f32
    %sub3A_106 = vector.broadcast %sub3A_105 : f32 to vector<16xf32>
    %sub3A_107 = arith.subf %sub3A_106, %min3A_104 : vector<16xf32>
    %select_n3A_108 = arith.select %gt3A_97, %min3A_104, %sub3A_107 : vector<16xi1>, vector<16xf32>
    %bitcast3A = vector.bitcast %select_n3A_108 : vector<16xf32> to vector<16xi32>
    %shift_right_arithmetic3A = arith.constant 23 : i32
    %shift_right_arithmetic3A_109 = vector.broadcast %shift_right_arithmetic3A : i32 to vector<16xi32>
    %shift_right_arithmetic3A_110 = arith.shrsi %bitcast3A, %shift_right_arithmetic3A_109 : vector<16xi32>
    %sub3A_111 = arith.constant 127 : i32
    %sub3A_112 = vector.broadcast %sub3A_111 : i32 to vector<16xi32>
    %sub3A_113 = arith.subi %shift_right_arithmetic3A_110, %sub3A_112 : vector<16xi32>
    %and3A_114 = arith.constant 8388607 : i32
    %and3A_115 = vector.broadcast %and3A_114 : i32 to vector<16xi32>
    %and3A_116 = arith.andi %bitcast3A, %and3A_115 : vector<16xi32>
    %or3A = arith.constant 1065353216 : i32
    %or3A_117 = vector.broadcast %or3A : i32 to vector<16xi32>
    %or3A_118 = arith.ori %and3A_116, %or3A_117 : vector<16xi32>
    %bitcast3A_119 = vector.bitcast %or3A_118 : vector<16xi32> to vector<16xf32>
    %gt3A_120 = arith.constant 1.41421354 : f32
    %gt3A_121 = vector.broadcast %gt3A_120 : f32 to vector<16xf32>
    %gt3A_122 = arith.cmpf ogt, %bitcast3A_119, %gt3A_121 : vector<16xf32>
    %mul3A_123 = arith.constant 5.000000e-01 : f32
    %mul3A_124 = vector.broadcast %mul3A_123 : f32 to vector<16xf32>
    %mul3A_125 = arith.mulf %bitcast3A_119, %mul3A_124 : vector<16xf32>
    %select_n3A_126 = arith.select %gt3A_122, %mul3A_125, %bitcast3A_119 : vector<16xi1>, vector<16xf32>
    %convert_element_type3A = arith.extui %gt3A_122 : vector<16xi1> to vector<16xi32>
    %add3A_127 = arith.addi %sub3A_113, %convert_element_type3A : vector<16xi32>
    %convert_element_type3A_128 = arith.sitofp %add3A_127 : vector<16xi32> to vector<16xf32>
    %sub3A_129 = arith.constant 1.000000e+00 : f32
    %sub3A_130 = vector.broadcast %sub3A_129 : f32 to vector<16xf32>
    %sub3A_131 = arith.subf %select_n3A_126, %sub3A_130 : vector<16xf32>
    %add3A_132 = arith.constant 1.000000e+00 : f32
    %add3A_133 = vector.broadcast %add3A_132 : f32 to vector<16xf32>
    %add3A_134 = arith.addf %select_n3A_126, %add3A_133 : vector<16xf32>
    %div3A_135 = arith.divf %sub3A_131, %add3A_134 : vector<16xf32>
    %mul3A_136 = arith.mulf %div3A_135, %div3A_135 : vector<16xf32>
    %mul3A_137 = arith.constant 2.000000e+00 : f32
    %mul3A_138 = vector.broadcast %mul3A_137 : f32 to vector<16xf32>
    %mul3A_139 = arith.mulf %mul3A_138, %div3A_135 : vector<16xf32>
    %mul3A_140 = arith.constant 0.111111112 : f32
    %mul3A_141 = vector.broadcast %mul3A_140 : f32 to vector<16xf32>
    %mul3A_142 = arith.mulf %mul3A_136, %mul3A_141 : vector<16xf32>
    %add3A_143 = arith.constant 0.142857149 : f32
    %add3A_144 = vector.broadcast %add3A_143 : f32 to vector<16xf32>
    %add3A_145 = arith.addf %add3A_144, %mul3A_142 : vector<16xf32>
    %mul3A_146 = arith.mulf %mul3A_136, %add3A_145 : vector<16xf32>
    %add3A_147 = arith.constant 2.000000e-01 : f32
    %add3A_148 = vector.broadcast %add3A_147 : f32 to vector<16xf32>
    %add3A_149 = arith.addf %add3A_148, %mul3A_146 : vector<16xf32>
    %mul3A_150 = arith.mulf %mul3A_136, %add3A_149 : vector<16xf32>
    %add3A_151 = arith.constant 0.333333343 : f32
    %add3A_152 = vector.broadcast %add3A_151 : f32 to vector<16xf32>
    %add3A_153 = arith.addf %add3A_152, %mul3A_150 : vector<16xf32>
    %mul3A_154 = arith.mulf %mul3A_136, %add3A_153 : vector<16xf32>
    %add3A_155 = arith.constant 1.000000e+00 : f32
    %add3A_156 = vector.broadcast %add3A_155 : f32 to vector<16xf32>
    %add3A_157 = arith.addf %add3A_156, %mul3A_154 : vector<16xf32>
    %mul3A_158 = arith.mulf %mul3A_139, %add3A_157 : vector<16xf32>
    %mul3A_159 = arith.constant 0.693147182 : f32
    %mul3A_160 = vector.broadcast %mul3A_159 : f32 to vector<16xf32>
    %mul3A_161 = arith.mulf %convert_element_type3A_128, %mul3A_160 : vector<16xf32>
    %add3A_162 = arith.addf %mul3A_161, %mul3A_158 : vector<16xf32>
    %neg3A = arith.constant 0.000000e+00 : f32
    %neg3A_163 = vector.broadcast %neg3A : f32 to vector<16xf32>
    %neg3A_164 = arith.subf %neg3A_163, %add3A_162 : vector<16xf32>
    %get3A_165 = arith.constant 0 : index
    %get3A_166 = tpu.vector_load %arg16[%get3A_165] {strides = array<i32>} : memref<128xf32, #tpu.memory_space<vmem>>, vector<16xf32>,
    %ge3A = arith.constant 0 : i32
    %ge3A_167 = vector.broadcast %ge3A : i32 to vector<16xi32>
    %ge3A_168 = arith.cmpi sge, %get3A_87, %ge3A_167 : vector<16xi32>
    %convert_element_type3A_169 = arith.extui %ge3A_168 : vector<16xi1> to vector<16xi32>
    %convert_element_type3A_170 = arith.sitofp %convert_element_type3A_169 : vector<16xi32> to vector<16xf32>
    %mul3A_171 = arith.mulf %get3A_166, %convert_element_type3A_170 : vector<16xf32>
    %sub3A_172 = arith.constant 1.000000e+00 : f32
    %sub3A_173 = vector.broadcast %sub3A_172 : f32 to vector<16xf32>
    %sub3A_174 = arith.subf %sub3A_173, %convert_element_type3A_170 : vector<16xf32>
    %mul3A_175 = vector.broadcast %select_n3A_86 : f32 to vector<16xf32>
    %mul3A_176 = arith.mulf %mul3A_171, %mul3A_175 : vector<16xf32>
    %mul3A_177 = vector.broadcast %select_n3A_86 : f32 to vector<16xf32>
    %mul3A_178 = arith.mulf %sub3A_174, %mul3A_177 : vector<16xf32>
    %mul3A_179 = arith.mulf %mul3A_176, %neg3A_164 : vector<16xf32>
    %add3A_180 = arith.addf %while3A_80#0, %mul3A_179 : vector<16xf32>
    %add3A_181 = arith.addf %while3A_80#1, %mul3A_176 : vector<16xf32>
    %mul3A_182 = arith.mulf %mul3A_178, %neg3A_164 : vector<16xf32>
    %add3A_183 = arith.addf %while3A_80#2, %mul3A_182 : vector<16xf32>
    %add3A_184 = arith.addf %while3A_80#3, %mul3A_178 : vector<16xf32>
    %get3A_185 = arith.constant 99984 : index
    %get3A_186 = tpu.vector_load %arg11[%get3A_185] {strides = array<i32>} : memref<100096xi32, #tpu.memory_space<vmem>>, vector<16xi32>,
    %scan3A_187 = arith.constant 0 : i32
    %scan3A_188 = arith.constant 8 : i32
    %scan3A_189 = arith.addi %scan3A_187, %scan3A_188 : i32
    %scan3A_190 = arith.constant 1 : i32
    %scan3A_191 = scf.for %scan3A_304 = %scan3A_187 to %scan3A_189 step %scan3A_190 iter_args(%scan3A_305 = %broadcast_in_dim3A_69) -> (vector<16xi32>)  : i32 {
      %mul3A_306 = arith.constant 8 : i32
      %mul3A_307 = arith.muli %scan3A_304, %mul3A_306 : i32
      %add3A_308 = arith.constant 0 : i32
      %add3A_309 = arith.addi %add3A_308, %mul3A_307 : i32
      %add3A_310 = arith.constant 0 : i32
      %add3A_311 = arith.addi %add3A_309, %add3A_310 : i32
      %get3A_312 = arith.index_cast %add3A_311 : i32 to index
      %get3A_313 = arith.constant 16 : index
      %get3A_314 = tpu.vector_load %arg12[%get3A_312, %get3A_313] {strides = array<i32>} : memref<128x128xi32, #tpu.memory_space<vmem>>, vector<16xi32>,
      %gather3A = tpu.vector_load_idx %arg11[%get3A_314] : memref<100096xi32, #tpu.memory_space<vmem>>[vector<16xi32>], vector<16xi32>,
      %eq3A_315 = arith.cmpi eq, %gather3A, %get3A_186 : vector<16xi32>
      %convert_element_type3A_316 = arith.extui %eq3A_315 : vector<16xi1> to vector<16xi32>
      %add3A_317 = arith.addi %scan3A_305, %convert_element_type3A_316 : vector<16xi32>
      %mul3A_318 = arith.constant 8 : i32
      %mul3A_319 = arith.muli %scan3A_304, %mul3A_318 : i32
      %add3A_320 = arith.constant 0 : i32
      %add3A_321 = arith.addi %add3A_320, %mul3A_319 : i32
      %add3A_322 = arith.constant 1 : i32
      %add3A_323 = arith.addi %add3A_321, %add3A_322 : i32
      %get3A_324 = arith.index_cast %add3A_323 : i32 to index
      %get3A_325 = arith.constant 16 : index
      %get3A_326 = tpu.vector_load %arg12[%get3A_324, %get3A_325] {strides = array<i32>} : memref<128x128xi32, #tpu.memory_space<vmem>>, vector<16xi32>,
      %gather3A_327 = tpu.vector_load_idx %arg11[%get3A_326] : memref<100096xi32, #tpu.memory_space<vmem>>[vector<16xi32>], vector<16xi32>,
      %eq3A_328 = arith.cmpi eq, %gather3A_327, %get3A_186 : vector<16xi32>
      %convert_element_type3A_329 = arith.extui %eq3A_328 : vector<16xi1> to vector<16xi32>
      %add3A_330 = arith.addi %add3A_317, %convert_element_type3A_329 : vector<16xi32>
      %mul3A_331 = arith.constant 8 : i32
      %mul3A_332 = arith.muli %scan3A_304, %mul3A_331 : i32
      %add3A_333 = arith.constant 0 : i32
      %add3A_334 = arith.addi %add3A_333, %mul3A_332 : i32
      %add3A_335 = arith.constant 2 : i32
      %add3A_336 = arith.addi %add3A_334, %add3A_335 : i32
      %get3A_337 = arith.index_cast %add3A_336 : i32 to index
      %get3A_338 = arith.constant 16 : index
      %get3A_339 = tpu.vector_load %arg12[%get3A_337, %get3A_338] {strides = array<i32>} : memref<128x128xi32, #tpu.memory_space<vmem>>, vector<16xi32>,
      %gather3A_340 = tpu.vector_load_idx %arg11[%get3A_339] : memref<100096xi32, #tpu.memory_space<vmem>>[vector<16xi32>], vector<16xi32>,
      %eq3A_341 = arith.cmpi eq, %gather3A_340, %get3A_186 : vector<16xi32>
      %convert_element_type3A_342 = arith.extui %eq3A_341 : vector<16xi1> to vector<16xi32>
      %add3A_343 = arith.addi %add3A_330, %convert_element_type3A_342 : vector<16xi32>
      %mul3A_344 = arith.constant 8 : i32
      %mul3A_345 = arith.muli %scan3A_304, %mul3A_344 : i32
      %add3A_346 = arith.constant 0 : i32
      %add3A_347 = arith.addi %add3A_346, %mul3A_345 : i32
      %add3A_348 = arith.constant 3 : i32
      %add3A_349 = arith.addi %add3A_347, %add3A_348 : i32
      %get3A_350 = arith.index_cast %add3A_349 : i32 to index
      %get3A_351 = arith.constant 16 : index
      %get3A_352 = tpu.vector_load %arg12[%get3A_350, %get3A_351] {strides = array<i32>} : memref<128x128xi32, #tpu.memory_space<vmem>>, vector<16xi32>,
      %gather3A_353 = tpu.vector_load_idx %arg11[%get3A_352] : memref<100096xi32, #tpu.memory_space<vmem>>[vector<16xi32>], vector<16xi32>,
      %eq3A_354 = arith.cmpi eq, %gather3A_353, %get3A_186 : vector<16xi32>
      %convert_element_type3A_355 = arith.extui %eq3A_354 : vector<16xi1> to vector<16xi32>
      %add3A_356 = arith.addi %add3A_343, %convert_element_type3A_355 : vector<16xi32>
      %mul3A_357 = arith.constant 8 : i32
      %mul3A_358 = arith.muli %scan3A_304, %mul3A_357 : i32
      %add3A_359 = arith.constant 0 : i32
      %add3A_360 = arith.addi %add3A_359, %mul3A_358 : i32
      %add3A_361 = arith.constant 4 : i32
      %add3A_362 = arith.addi %add3A_360, %add3A_361 : i32
      %get3A_363 = arith.index_cast %add3A_362 : i32 to index
      %get3A_364 = arith.constant 16 : index
      %get3A_365 = tpu.vector_load %arg12[%get3A_363, %get3A_364] {strides = array<i32>} : memref<128x128xi32, #tpu.memory_space<vmem>>, vector<16xi32>,
      %gather3A_366 = tpu.vector_load_idx %arg11[%get3A_365] : memref<100096xi32, #tpu.memory_space<vmem>>[vector<16xi32>], vector<16xi32>,
      %eq3A_367 = arith.cmpi eq, %gather3A_366, %get3A_186 : vector<16xi32>
      %convert_element_type3A_368 = arith.extui %eq3A_367 : vector<16xi1> to vector<16xi32>
      %add3A_369 = arith.addi %add3A_356, %convert_element_type3A_368 : vector<16xi32>
      %mul3A_370 = arith.constant 8 : i32
      %mul3A_371 = arith.muli %scan3A_304, %mul3A_370 : i32
      %add3A_372 = arith.constant 0 : i32
      %add3A_373 = arith.addi %add3A_372, %mul3A_371 : i32
      %add3A_374 = arith.constant 5 : i32
      %add3A_375 = arith.addi %add3A_373, %add3A_374 : i32
      %get3A_376 = arith.index_cast %add3A_375 : i32 to index
      %get3A_377 = arith.constant 16 : index
      %get3A_378 = tpu.vector_load %arg12[%get3A_376, %get3A_377] {strides = array<i32>} : memref<128x128xi32, #tpu.memory_space<vmem>>, vector<16xi32>,
      %gather3A_379 = tpu.vector_load_idx %arg11[%get3A_378] : memref<100096xi32, #tpu.memory_space<vmem>>[vector<16xi32>], vector<16xi32>,
      %eq3A_380 = arith.cmpi eq, %gather3A_379, %get3A_186 : vector<16xi32>
      %convert_element_type3A_381 = arith.extui %eq3A_380 : vector<16xi1> to vector<16xi32>
      %add3A_382 = arith.addi %add3A_369, %convert_element_type3A_381 : vector<16xi32>
      %mul3A_383 = arith.constant 8 : i32
      %mul3A_384 = arith.muli %scan3A_304, %mul3A_383 : i32
      %add3A_385 = arith.constant 0 : i32
      %add3A_386 = arith.addi %add3A_385, %mul3A_384 : i32
      %add3A_387 = arith.constant 6 : i32
      %add3A_388 = arith.addi %add3A_386, %add3A_387 : i32
      %get3A_389 = arith.index_cast %add3A_388 : i32 to index
      %get3A_390 = arith.constant 16 : index
      %get3A_391 = tpu.vector_load %arg12[%get3A_389, %get3A_390] {strides = array<i32>} : memref<128x128xi32, #tpu.memory_space<vmem>>, vector<16xi32>,
      %gather3A_392 = tpu.vector_load_idx %arg11[%get3A_391] : memref<100096xi32, #tpu.memory_space<vmem>>[vector<16xi32>], vector<16xi32>,
      %eq3A_393 = arith.cmpi eq, %gather3A_392, %get3A_186 : vector<16xi32>
      %convert_element_type3A_394 = arith.extui %eq3A_393 : vector<16xi1> to vector<16xi32>
      %add3A_395 = arith.addi %add3A_382, %convert_element_type3A_394 : vector<16xi32>
      %mul3A_396 = arith.constant 8 : i32
      %mul3A_397 = arith.muli %scan3A_304, %mul3A_396 : i32
      %add3A_398 = arith.constant 0 : i32
      %add3A_399 = arith.addi %add3A_398, %mul3A_397 : i32
      %add3A_400 = arith.constant 7 : i32
      %add3A_401 = arith.addi %add3A_399, %add3A_400 : i32
      %get3A_402 = arith.index_cast %add3A_401 : i32 to index
      %get3A_403 = arith.constant 16 : index
      %get3A_404 = tpu.vector_load %arg12[%get3A_402, %get3A_403] {strides = array<i32>} : memref<128x128xi32, #tpu.memory_space<vmem>>, vector<16xi32>,
      %gather3A_405 = tpu.vector_load_idx %arg11[%get3A_404] : memref<100096xi32, #tpu.memory_space<vmem>>[vector<16xi32>], vector<16xi32>,
      %eq3A_406 = arith.cmpi eq, %gather3A_405, %get3A_186 : vector<16xi32>
      %convert_element_type3A_407 = arith.extui %eq3A_406 : vector<16xi1> to vector<16xi32>
      %add3A_408 = arith.addi %add3A_395, %convert_element_type3A_407 : vector<16xi32>
      scf.yield %add3A_408 : vector<16xi32>
    }
    %scan3A_192 = arith.constant 8 : i32
    %mul3A_193 = arith.constant 10 : i32
    %mul3A_194 = vector.broadcast %mul3A_193 : i32 to vector<16xi32>
    %mul3A_195 = arith.muli %scan3A_191, %mul3A_194 : vector<16xi32>
    %gt3A_196 = arith.constant 576 : i32
    %gt3A_197 = vector.broadcast %gt3A_196 : i32 to vector<16xi32>
    %gt3A_198 = arith.cmpi sgt, %mul3A_195, %gt3A_197 : vector<16xi32>
    %get3A_199 = arith.constant 16 : index
    %get3A_200 = tpu.vector_load %arg15[%get3A_199] {strides = array<i32>} : memref<128xf32, #tpu.memory_space<vmem>>, vector<16xf32>,
    %jit3A_201 = arith.constant 1.000000e-07 : f32
    %jit3A_202 = arith.constant 0.99999988 : f32
    %max3A_203 = vector.broadcast %jit3A_201 : f32 to vector<16xf32>
    %max3A_204 = arith.maximumf %max3A_203, %get3A_200 : vector<16xf32>
    %min3A_205 = vector.broadcast %jit3A_202 : f32 to vector<16xf32>
    %min3A_206 = arith.minimumf %min3A_205, %max3A_204 : vector<16xf32>
    %sub3A_207 = arith.constant 1.000000e+00 : f32
    %sub3A_208 = vector.broadcast %sub3A_207 : f32 to vector<16xf32>
    %sub3A_209 = arith.subf %sub3A_208, %min3A_206 : vector<16xf32>
    %select_n3A_210 = arith.select %gt3A_198, %min3A_206, %sub3A_209 : vector<16xi1>, vector<16xf32>
    %bitcast3A_211 = vector.bitcast %select_n3A_210 : vector<16xf32> to vector<16xi32>
    %shift_right_arithmetic3A_212 = arith.constant 23 : i32
    %shift_right_arithmetic3A_213 = vector.broadcast %shift_right_arithmetic3A_212 : i32 to vector<16xi32>
    %shift_right_arithmetic3A_214 = arith.shrsi %bitcast3A_211, %shift_right_arithmetic3A_213 : vector<16xi32>
    %sub3A_215 = arith.constant 127 : i32
    %sub3A_216 = vector.broadcast %sub3A_215 : i32 to vector<16xi32>
    %sub3A_217 = arith.subi %shift_right_arithmetic3A_214, %sub3A_216 : vector<16xi32>
    %and3A_218 = arith.constant 8388607 : i32
    %and3A_219 = vector.broadcast %and3A_218 : i32 to vector<16xi32>
    %and3A_220 = arith.andi %bitcast3A_211, %and3A_219 : vector<16xi32>
    %or3A_221 = arith.constant 1065353216 : i32
    %or3A_222 = vector.broadcast %or3A_221 : i32 to vector<16xi32>
    %or3A_223 = arith.ori %and3A_220, %or3A_222 : vector<16xi32>
    %bitcast3A_224 = vector.bitcast %or3A_223 : vector<16xi32> to vector<16xf32>
    %gt3A_225 = arith.constant 1.41421354 : f32
    %gt3A_226 = vector.broadcast %gt3A_225 : f32 to vector<16xf32>
    %gt3A_227 = arith.cmpf ogt, %bitcast3A_224, %gt3A_226 : vector<16xf32>
    %mul3A_228 = arith.constant 5.000000e-01 : f32
    %mul3A_229 = vector.broadcast %mul3A_228 : f32 to vector<16xf32>
    %mul3A_230 = arith.mulf %bitcast3A_224, %mul3A_229 : vector<16xf32>
    %select_n3A_231 = arith.select %gt3A_227, %mul3A_230, %bitcast3A_224 : vector<16xi1>, vector<16xf32>
    %convert_element_type3A_232 = arith.extui %gt3A_227 : vector<16xi1> to vector<16xi32>
    %add3A_233 = arith.addi %sub3A_217, %convert_element_type3A_232 : vector<16xi32>
    %convert_element_type3A_234 = arith.sitofp %add3A_233 : vector<16xi32> to vector<16xf32>
    %sub3A_235 = arith.constant 1.000000e+00 : f32
    %sub3A_236 = vector.broadcast %sub3A_235 : f32 to vector<16xf32>
    %sub3A_237 = arith.subf %select_n3A_231, %sub3A_236 : vector<16xf32>
    %add3A_238 = arith.constant 1.000000e+00 : f32
    %add3A_239 = vector.broadcast %add3A_238 : f32 to vector<16xf32>
    %add3A_240 = arith.addf %select_n3A_231, %add3A_239 : vector<16xf32>
    %div3A_241 = arith.divf %sub3A_237, %add3A_240 : vector<16xf32>
    %mul3A_242 = arith.mulf %div3A_241, %div3A_241 : vector<16xf32>
    %mul3A_243 = arith.constant 2.000000e+00 : f32
    %mul3A_244 = vector.broadcast %mul3A_243 : f32 to vector<16xf32>
    %mul3A_245 = arith.mulf %mul3A_244, %div3A_241 : vector<16xf32>
    %mul3A_246 = arith.constant 0.111111112 : f32
    %mul3A_247 = vector.broadcast %mul3A_246 : f32 to vector<16xf32>
    %mul3A_248 = arith.mulf %mul3A_242, %mul3A_247 : vector<16xf32>
    %add3A_249 = arith.constant 0.142857149 : f32
    %add3A_250 = vector.broadcast %add3A_249 : f32 to vector<16xf32>
    %add3A_251 = arith.addf %add3A_250, %mul3A_248 : vector<16xf32>
    %mul3A_252 = arith.mulf %mul3A_242, %add3A_251 : vector<16xf32>
    %add3A_253 = arith.constant 2.000000e-01 : f32
    %add3A_254 = vector.broadcast %add3A_253 : f32 to vector<16xf32>
    %add3A_255 = arith.addf %add3A_254, %mul3A_252 : vector<16xf32>
    %mul3A_256 = arith.mulf %mul3A_242, %add3A_255 : vector<16xf32>
    %add3A_257 = arith.constant 0.333333343 : f32
    %add3A_258 = vector.broadcast %add3A_257 : f32 to vector<16xf32>
    %add3A_259 = arith.addf %add3A_258, %mul3A_256 : vector<16xf32>
    %mul3A_260 = arith.mulf %mul3A_242, %add3A_259 : vector<16xf32>
    %add3A_261 = arith.constant 1.000000e+00 : f32
    %add3A_262 = vector.broadcast %add3A_261 : f32 to vector<16xf32>
    %add3A_263 = arith.addf %add3A_262, %mul3A_260 : vector<16xf32>
    %mul3A_264 = arith.mulf %mul3A_245, %add3A_263 : vector<16xf32>
    %mul3A_265 = arith.constant 0.693147182 : f32
    %mul3A_266 = vector.broadcast %mul3A_265 : f32 to vector<16xf32>
    %mul3A_267 = arith.mulf %convert_element_type3A_234, %mul3A_266 : vector<16xf32>
    %add3A_268 = arith.addf %mul3A_267, %mul3A_264 : vector<16xf32>
    %neg3A_269 = arith.constant 0.000000e+00 : f32
    %neg3A_270 = vector.broadcast %neg3A_269 : f32 to vector<16xf32>
    %neg3A_271 = arith.subf %neg3A_270, %add3A_268 : vector<16xf32>
    %get3A_272 = arith.constant 16 : index
    %get3A_273 = tpu.vector_load %arg16[%get3A_272] {strides = array<i32>} : memref<128xf32, #tpu.memory_space<vmem>>, vector<16xf32>,
    %ge3A_274 = arith.constant 0 : i32
    %ge3A_275 = vector.broadcast %ge3A_274 : i32 to vector<16xi32>
    %ge3A_276 = arith.cmpi sge, %get3A_186, %ge3A_275 : vector<16xi32>
    %convert_element_type3A_277 = arith.extui %ge3A_276 : vector<16xi1> to vector<16xi32>
    %convert_element_type3A_278 = arith.sitofp %convert_element_type3A_277 : vector<16xi32> to vector<16xf32>
    %mul3A_279 = arith.mulf %get3A_273, %convert_element_type3A_278 : vector<16xf32>
    %sub3A_280 = arith.constant 1.000000e+00 : f32
    %sub3A_281 = vector.broadcast %sub3A_280 : f32 to vector<16xf32>
    %sub3A_282 = arith.subf %sub3A_281, %convert_element_type3A_278 : vector<16xf32>
    %mul3A_283 = vector.broadcast %select_n3A_86 : f32 to vector<16xf32>
    %mul3A_284 = arith.mulf %mul3A_279, %mul3A_283 : vector<16xf32>
    %mul3A_285 = vector.broadcast %select_n3A_86 : f32 to vector<16xf32>
    %mul3A_286 = arith.mulf %sub3A_282, %mul3A_285 : vector<16xf32>
    %mul3A_287 = arith.mulf %mul3A_284, %neg3A_271 : vector<16xf32>
    %add3A_288 = arith.addf %add3A_180, %mul3A_287 : vector<16xf32>
    %add3A_289 = arith.addf %add3A_181, %mul3A_284 : vector<16xf32>
    %mul3A_290 = arith.mulf %mul3A_286, %neg3A_271 : vector<16xf32>
    %add3A_291 = arith.addf %add3A_183, %mul3A_290 : vector<16xf32>
    %add3A_292 = arith.addf %add3A_184, %mul3A_286 : vector<16xf32>
    %swap3A = arith.constant 0 : index
    %swap3A_293 = tpu.vector_load %arg17[%swap3A] {strides = array<i32>} : memref<16xf32, #tpu.memory_space<vmem>>, vector<16xf32>,
    tpu.vector_store %arg17[%swap3A], %add3A_288 {strides = array<i32>} : memref<16xf32, #tpu.memory_space<vmem>>, vector<16xf32>,
    %swap3A_294 = arith.constant 0 : index
    %swap3A_295 = tpu.vector_load %arg18[%swap3A_294] {strides = array<i32>} : memref<16xf32, #tpu.memory_space<vmem>>, vector<16xf32>,
    tpu.vector_store %arg18[%swap3A_294], %add3A_289 {strides = array<i32>} : memref<16xf32, #tpu.memory_space<vmem>>, vector<16xf32>,
    %swap3A_296 = arith.constant 0 : index
    %swap3A_297 = tpu.vector_load %arg19[%swap3A_296] {strides = array<i32>} : memref<16xf32, #tpu.memory_space<vmem>>, vector<16xf32>,
    tpu.vector_store %arg19[%swap3A_296], %add3A_291 {strides = array<i32>} : memref<16xf32, #tpu.memory_space<vmem>>, vector<16xf32>,
    %swap3A_298 = arith.constant 0 : index
    %swap3A_299 = tpu.vector_load %arg20[%swap3A_298] {strides = array<i32>} : memref<16xf32, #tpu.memory_space<vmem>>, vector<16xf32>,
    tpu.vector_store %arg20[%swap3A_298], %add3A_292 {strides = array<i32>} : memref<16xf32, #tpu.memory_space<vmem>>, vector<16xf32>,
    %run_scoped3A_300 = arith.constant 0 : i32
    "tpu.region"() ({
      %run_scoped3A_304 = tpu.sem_alloc : memref<!tpu.dma_semaphore, #tpu.memory_space<semaphore_mem>>
      %dma_start3A_305 = arith.constant 0 : i32
      %dma_start3A_306 = tpu.memref_slice %arg10[%add3A, %run_scoped3A_300, %dma_start3A_305] : memref<32x4x16xf32, #tpu.memory_space<hbm>> -> memref<1x1x16xf32, #tpu.memory_space<hbm>>
      %dma_start3A_307 = tpu.memref_squeeze %dma_start3A_306 : memref<1x1x16xf32, #tpu.memory_space<hbm>> -> memref<16xf32, #tpu.memory_space<hbm>>
      %dma_start3A_308 = arith.constant 0 : i32
      %dma_start3A_309 = tpu.memref_slice %arg10[%add3A, %run_scoped3A_300, %dma_start3A_308] : memref<32x4x16xf32, #tpu.memory_space<hbm>> -> memref<1x1x16xf32, #tpu.memory_space<hbm>>
      %dma_start3A_310 = tpu.memref_squeeze %dma_start3A_309 : memref<1x1x16xf32, #tpu.memory_space<hbm>> -> memref<16xf32, #tpu.memory_space<hbm>>
      tpu.enqueue_dma source(%arg17 : memref<16xf32, #tpu.memory_space<vmem>>) target(%dma_start3A_310 : memref<16xf32, #tpu.memory_space<hbm>>) target_semaphore(%run_scoped3A_304 : memref<!tpu.dma_semaphore, #tpu.memory_space<semaphore_mem>>)
      %dma_wait3A = arith.constant 0 : i32
      %dma_wait3A_311 = tpu.memref_slice %arg10[%add3A, %run_scoped3A_300, %dma_wait3A] : memref<32x4x16xf32, #tpu.memory_space<hbm>> -> memref<1x1x16xf32, #tpu.memory_space<hbm>>
      %dma_wait3A_312 = tpu.memref_squeeze %dma_wait3A_311 : memref<1x1x16xf32, #tpu.memory_space<hbm>> -> memref<16xf32, #tpu.memory_space<hbm>>
      %dma_wait3A_313 = arith.constant 0 : i32
      %dma_wait3A_314 = tpu.memref_slice %arg10[%add3A, %run_scoped3A_300, %dma_wait3A_313] : memref<32x4x16xf32, #tpu.memory_space<hbm>> -> memref<1x1x16xf32, #tpu.memory_space<hbm>>
      %dma_wait3A_315 = tpu.memref_squeeze %dma_wait3A_314 : memref<1x1x16xf32, #tpu.memory_space<hbm>> -> memref<16xf32, #tpu.memory_space<hbm>>
      tpu.wait_dma2 semaphore(%run_scoped3A_304 : memref<!tpu.dma_semaphore, #tpu.memory_space<semaphore_mem>>) src(%arg17 : memref<16xf32, #tpu.memory_space<vmem>>) dst(%dma_wait3A_315 : memref<16xf32, #tpu.memory_space<hbm>>)
      tpu.yield
    }) : () -> ()
    %run_scoped3A_301 = arith.constant 1 : i32
    "tpu.region"() ({
      %run_scoped3A_304 = tpu.sem_alloc : memref<!tpu.dma_semaphore, #tpu.memory_space<semaphore_mem>>
      %dma_start3A_305 = arith.constant 0 : i32
      %dma_start3A_306 = tpu.memref_slice %arg10[%add3A, %run_scoped3A_301, %dma_start3A_305] : memref<32x4x16xf32, #tpu.memory_space<hbm>> -> memref<1x1x16xf32, #tpu.memory_space<hbm>>
      %dma_start3A_307 = tpu.memref_squeeze %dma_start3A_306 : memref<1x1x16xf32, #tpu.memory_space<hbm>> -> memref<16xf32, #tpu.memory_space<hbm>>
      %dma_start3A_308 = arith.constant 0 : i32
      %dma_start3A_309 = tpu.memref_slice %arg10[%add3A, %run_scoped3A_301, %dma_start3A_308] : memref<32x4x16xf32, #tpu.memory_space<hbm>> -> memref<1x1x16xf32, #tpu.memory_space<hbm>>
      %dma_start3A_310 = tpu.memref_squeeze %dma_start3A_309 : memref<1x1x16xf32, #tpu.memory_space<hbm>> -> memref<16xf32, #tpu.memory_space<hbm>>
      tpu.enqueue_dma source(%arg18 : memref<16xf32, #tpu.memory_space<vmem>>) target(%dma_start3A_310 : memref<16xf32, #tpu.memory_space<hbm>>) target_semaphore(%run_scoped3A_304 : memref<!tpu.dma_semaphore, #tpu.memory_space<semaphore_mem>>)
      %dma_wait3A = arith.constant 0 : i32
      %dma_wait3A_311 = tpu.memref_slice %arg10[%add3A, %run_scoped3A_301, %dma_wait3A] : memref<32x4x16xf32, #tpu.memory_space<hbm>> -> memref<1x1x16xf32, #tpu.memory_space<hbm>>
      %dma_wait3A_312 = tpu.memref_squeeze %dma_wait3A_311 : memref<1x1x16xf32, #tpu.memory_space<hbm>> -> memref<16xf32, #tpu.memory_space<hbm>>
      %dma_wait3A_313 = arith.constant 0 : i32
      %dma_wait3A_314 = tpu.memref_slice %arg10[%add3A, %run_scoped3A_301, %dma_wait3A_313] : memref<32x4x16xf32, #tpu.memory_space<hbm>> -> memref<1x1x16xf32, #tpu.memory_space<hbm>>
      %dma_wait3A_315 = tpu.memref_squeeze %dma_wait3A_314 : memref<1x1x16xf32, #tpu.memory_space<hbm>> -> memref<16xf32, #tpu.memory_space<hbm>>
      tpu.wait_dma2 semaphore(%run_scoped3A_304 : memref<!tpu.dma_semaphore, #tpu.memory_space<semaphore_mem>>) src(%arg18 : memref<16xf32, #tpu.memory_space<vmem>>) dst(%dma_wait3A_315 : memref<16xf32, #tpu.memory_space<hbm>>)
      tpu.yield
    }) : () -> ()
    %run_scoped3A_302 = arith.constant 2 : i32
    "tpu.region"() ({
      %run_scoped3A_304 = tpu.sem_alloc : memref<!tpu.dma_semaphore, #tpu.memory_space<semaphore_mem>>
      %dma_start3A_305 = arith.constant 0 : i32
      %dma_start3A_306 = tpu.memref_slice %arg10[%add3A, %run_scoped3A_302, %dma_start3A_305] : memref<32x4x16xf32, #tpu.memory_space<hbm>> -> memref<1x1x16xf32, #tpu.memory_space<hbm>>
      %dma_start3A_307 = tpu.memref_squeeze %dma_start3A_306 : memref<1x1x16xf32, #tpu.memory_space<hbm>> -> memref<16xf32, #tpu.memory_space<hbm>>
      %dma_start3A_308 = arith.constant 0 : i32
      %dma_start3A_309 = tpu.memref_slice %arg10[%add3A, %run_scoped3A_302, %dma_start3A_308] : memref<32x4x16xf32, #tpu.memory_space<hbm>> -> memref<1x1x16xf32, #tpu.memory_space<hbm>>
      %dma_start3A_310 = tpu.memref_squeeze %dma_start3A_309 : memref<1x1x16xf32, #tpu.memory_space<hbm>> -> memref<16xf32, #tpu.memory_space<hbm>>
      tpu.enqueue_dma source(%arg19 : memref<16xf32, #tpu.memory_space<vmem>>) target(%dma_start3A_310 : memref<16xf32, #tpu.memory_space<hbm>>) target_semaphore(%run_scoped3A_304 : memref<!tpu.dma_semaphore, #tpu.memory_space<semaphore_mem>>)
      %dma_wait3A = arith.constant 0 : i32
      %dma_wait3A_311 = tpu.memref_slice %arg10[%add3A, %run_scoped3A_302, %dma_wait3A] : memref<32x4x16xf32, #tpu.memory_space<hbm>> -> memref<1x1x16xf32, #tpu.memory_space<hbm>>
      %dma_wait3A_312 = tpu.memref_squeeze %dma_wait3A_311 : memref<1x1x16xf32, #tpu.memory_space<hbm>> -> memref<16xf32, #tpu.memory_space<hbm>>
      %dma_wait3A_313 = arith.constant 0 : i32
      %dma_wait3A_314 = tpu.memref_slice %arg10[%add3A, %run_scoped3A_302, %dma_wait3A_313] : memref<32x4x16xf32, #tpu.memory_space<hbm>> -> memref<1x1x16xf32, #tpu.memory_space<hbm>>
      %dma_wait3A_315 = tpu.memref_squeeze %dma_wait3A_314 : memref<1x1x16xf32, #tpu.memory_space<hbm>> -> memref<16xf32, #tpu.memory_space<hbm>>
      tpu.wait_dma2 semaphore(%run_scoped3A_304 : memref<!tpu.dma_semaphore, #tpu.memory_space<semaphore_mem>>) src(%arg19 : memref<16xf32, #tpu.memory_space<vmem>>) dst(%dma_wait3A_315 : memref<16xf32, #tpu.memory_space<hbm>>)
      tpu.yield
    }) : () -> ()
    %run_scoped3A_303 = arith.constant 3 : i32
    "tpu.region"() ({
      %run_scoped3A_304 = tpu.sem_alloc : memref<!tpu.dma_semaphore, #tpu.memory_space<semaphore_mem>>
      %dma_start3A_305 = arith.constant 0 : i32
      %dma_start3A_306 = tpu.memref_slice %arg10[%add3A, %run_scoped3A_303, %dma_start3A_305] : memref<32x4x16xf32, #tpu.memory_space<hbm>> -> memref<1x1x16xf32, #tpu.memory_space<hbm>>
      %dma_start3A_307 = tpu.memref_squeeze %dma_start3A_306 : memref<1x1x16xf32, #tpu.memory_space<hbm>> -> memref<16xf32, #tpu.memory_space<hbm>>
      %dma_start3A_308 = arith.constant 0 : i32
      %dma_start3A_309 = tpu.memref_slice %arg10[%add3A, %run_scoped3A_303, %dma_start3A_308] : memref<32x4x16xf32, #tpu.memory_space<hbm>> -> memref<1x1x16xf32, #tpu.memory_space<hbm>>
      %dma_start3A_310 = tpu.memref_squeeze %dma_start3A_309 : memref<1x1x16xf32, #tpu.memory_space<hbm>> -> memref<16xf32, #tpu.memory_space<hbm>>
      tpu.enqueue_dma source(%arg20 : memref<16xf32, #tpu.memory_space<vmem>>) target(%dma_start3A_310 : memref<16xf32, #tpu.memory_space<hbm>>) target_semaphore(%run_scoped3A_304 : memref<!tpu.dma_semaphore, #tpu.memory_space<semaphore_mem>>)
      %dma_wait3A = arith.constant 0 : i32
      %dma_wait3A_311 = tpu.memref_slice %arg10[%add3A, %run_scoped3A_303, %dma_wait3A] : memref<32x4x16xf32, #tpu.memory_space<hbm>> -> memref<1x1x16xf32, #tpu.memory_space<hbm>>
      %dma_wait3A_312 = tpu.memref_squeeze %dma_wait3A_311 : memref<1x1x16xf32, #tpu.memory_space<hbm>> -> memref<16xf32, #tpu.memory_space<hbm>>
      %dma_wait3A_313 = arith.constant 0 : i32
      %dma_wait3A_314 = tpu.memref_slice %arg10[%add3A, %run_scoped3A_303, %dma_wait3A_313] : memref<32x4x16xf32, #tpu.memory_space<hbm>> -> memref<1x1x16xf32, #tpu.memory_space<hbm>>
      %dma_wait3A_315 = tpu.memref_squeeze %dma_wait3A_314 : memref<1x1x16xf32, #tpu.memory_space<hbm>> -> memref<16xf32, #tpu.memory_space<hbm>>
      tpu.wait_dma2 semaphore(%run_scoped3A_304 : memref<!tpu.dma_semaphore, #tpu.memory_space<semaphore_mem>>) src(%arg20 : memref<16xf32, #tpu.memory_space<vmem>>) dst(%dma_wait3A_315 : memref<16xf32, #tpu.memory_space<hbm>>)
      tpu.yield
    }) : () -> ()
    return
  }
}

</mosaic_0001>

<sc_bundles>
// kernel: kernel.3.cloned.1.call-start
scs
__scs_entry_jumppad:
0x0: {  	(pc) =	sbr.rel $0x88, $3  }
0x1: {  	(tag) =	ssettag $0x0;
	lr =	simm.s32 $0x1  }
0x2: {  	[smem:$0x3F9D] =	sst lr;
	_ =	strace $0xD0000000  }
0x3: {  	_ = 	snop  }
0x4: {  	_ = 	snop  }
0x5: {  	_ = 	snop  }
0x6: {  	_ = 	snop  }
0x7: {  	_ = 	snop  }
__scs_overlays_trampoline_lowered:
0x8: {  	[smem:$0x3FAC] =	sst s0  }
0x9: {  	[smem:$0x3FAD] =	sst s1  }
0xa: {  	[smem:$0x3FAE] =	sst s2  }
0xb: {  	[smem:$0x3FAF] =	sst s3  }
0xc: {  	[smem:$0x3FB0] =	sst s4  }
0xd: {  	[smem:$0x3FB1] =	sst s5  }
0xe: {  	[smem:$0x3FB2] =	sst s6  }
0xf: {  	[smem:$0x3FB3] =	sst s7  }
0x10: {  	[smem:$0x3FB4] =	sst s8  }
0x11: {  	[smem:$0x3FB5] =	sst s9;
	s0 =	simm.s32 @!p0 $0x0  }
0x12: {  	s1 =	sld [smem:$0x3F9B];
	s0 =	simm.s32 @p0 $0x1  }
0x13: {  	[smem:$0x3FB6] =	sst s0;
	s0 =	simm.s32 @!p1 $0x0  }
0x14: {  	s2 =	sld [smem:$0x3F9A];
	s0 =	simm.s32 @p1 $0x1  }
0x15: {  	[smem:$0x3FB7] =	sst s0;
	s0 =	simm.s32 @!p2 $0x0  }
0x16: {  	s3 =	sld [smem:$0x3FDB];
	s0 =	simm.s32 @p2 $0x1  }
0x17: {  	s4 =	simm.s32 $0x1BF5;
	[smem:$0x3FB9] =	sst s0  }
0x18: {  	s0 =	sld [smem:$0x3F9C];
	_ =	swait.ge [sflag:s4], $0x0  }
0x19: {  	s7 =	sld [smem:$0x3F9D]  }
0x1a: {  	s8 =	sadd.s32 $0xFFFFE003, lr  }
0x1b: {  	s9 =	sadd.s32 $0xFFFFFEF7, lr;
	s5 =	simm.s32 $0xFFFFFFFF;
	p2 =	slt.u32 s8, $0xFFFFF086  }
0x1c: {  	p1 =	slt.u32 s9, $0xF7A;
	s5 =	simm.s32 @!p2 $0x0  }
0x1d: {  	s5 =	simm.s32 @p1 $0x1;
	p0 =	seq.s32 s7, s2  }
0x1e: {  	s7 =	smul.u32 @!p0 $0xF7A, s2;
	p2 =	seq.s32 @!p0 s5, $0x0  }
0x1f: {  	s9 =	smul.u32 $0xF7A, s1;
	s8 =	simm.s32 @!p0 $0x1BF5;
	p2 =	por !p2, p0  }
0x20: {  	[sflag:s8] =	ssyncset.s32 @!p0 $0xFFFFF086;
	s6 =	sadd.s32 @!p0 s3, s7;
	s7 =	simm.s32 @!p0 $0x108  }
0x21: {  	s3 =	sadd.s32 s3, s9;
	s6 =	sadd.s32 @!p0 $0x88, s6;
	s7 =	simm.s32 @p2 $0x1082  }
0x22: {  	[simem:s7], [sflag:s8] =	dma.local @!p0 [hbm:s6], $0xF7A  }
0x23: {  	s9 =	sor.u32 $0xD0000000, s2;
	s6 =	simm.s32 $0x108;
	_ =	swait.ge @!p0 [sflag:s8], $0x0  }
0x24: {  	s3 =	sadd.s32 $0x88, s3;
	s6 =	simm.s32 @!p1 $0x1082;
	[sflag:s4] =	ssyncset.s32 $0xFFFFF086  }
0x25: {  	[simem:s6], [sflag:s4] =	dma.local [hbm:s3], $0xF7A  }
0x26: {  	[smem:$0x3F9D] =	sst s1;
	(tag) =	ssettag s2;
	_ =	strace s9  }
0x27: {  	s1 =	sld [smem:$0x3FAD]  }
0x28: {  	s2 =	sld [smem:$0x3FAE]  }
0x29: {  	s4 =	sld [smem:$0x3FB0]  }
0x2a: {  	p0 =	seq.s32 s5, $0x0;
	s5 =	sld [smem:$0x3FB1]  }
0x2b: {  	s6 =	sld [smem:$0x3FB2]  }
0x2c: {  	s7 =	sld [smem:$0x3FB3]  }
0x2d: {  	s3 =	simm.s32 $0x108;
	s8 =	sld [smem:$0x3FB4]  }
0x2e: {  	s3 =	simm.s32 @!p0 $0x1082;
	s9 =	sld [smem:$0x3FB5]  }
0x2f: {  	lr =	sadd.s32 s0, s3;
	s0 =	sld [smem:$0x3FAC]  }
0x30: {  	s3 =	sld [smem:$0x3FAF]  }
0x31: {  	[smem:$0x3FB8] =	sst s10  }
0x32: {  	s10 =	sld [smem:$0x3FB6];
	_ =	sdelay $0x3  }
0x33: {  	p0 =	seq.s32 s10, $0x1;
	s10 =	sld [smem:$0x3FB8];
	_ =	sdelay $0x3  }
0x34: {  	[smem:$0x3FB8] =	sst s10  }
0x35: {  	s10 =	sld [smem:$0x3FB7];
	_ =	sdelay $0x3  }
0x36: {  	p1 =	seq.s32 s10, $0x1;
	s10 =	sld [smem:$0x3FB8];
	_ =	sdelay $0x3  }
0x37: {  	[smem:$0x3FB8] =	sst s10  }
0x38: {  	s10 =	sld [smem:$0x3FB9]  }
0x39: {  	_ = 	snop;
	(pc) =	sbr.ind lr, $3  }
0x3a: {  	_ = 	snop  }
0x3b: {  	_ = 	snop  }
0x3c: {  	p2 =	seq.s32 s10, $0x1;
	s10 =	sld [smem:$0x3FB8]  }
0x3d: {  	_ =	shalt  }
0x3e: {  	_ =	shalt  }
0x3f: {  	_ =	shalt  }
0x40: {  	_ =	shalt  }
0x41: {  	_ =	shalt  }
0x42: {  	_ =	shalt  }
0x43: {  	_ =	shalt  }
0x44: {  	_ =	shalt  }
0x45: {  	_ =	shalt  }
0x46: {  	_ =	shalt  }
0x47: {  	_ =	shalt  }
0x48: {  	_ =	shalt  }
0x49: {  	_ =	shalt  }
0x4a: {  	_ =	shalt  }
0x4b: {  	_ =	shalt  }
0x4c: {  	_ =	shalt  }
0x4d: {  	_ =	shalt  }
0x4e: {  	_ =	shalt  }
0x4f: {  	_ =	shalt  }
0x50: {  	_ =	shalt  }
0x51: {  	_ =	shalt  }
0x52: {  	_ =	shalt  }
0x53: {  	_ =	shalt  }
0x54: {  	_ =	shalt  }
0x55: {  	_ =	shalt  }
0x56: {  	_ =	shalt  }
0x57: {  	_ =	shalt  }
0x58: {  	_ =	shalt  }
0x59: {  	_ =	shalt  }
0x5a: {  	_ =	shalt  }
0x5b: {  	_ =	shalt  }
0x5c: {  	_ =	shalt  }
0x5d: {  	_ =	shalt  }
0x5e: {  	_ =	shalt  }
0x5f: {  	_ =	shalt  }
0x60: {  	_ =	shalt  }
0x61: {  	_ =	shalt  }
0x62: {  	_ =	shalt  }
0x63: {  	_ =	shalt  }
0x64: {  	_ =	shalt  }
0x65: {  	_ =	shalt  }
0x66: {  	_ =	shalt  }
0x67: {  	_ =	shalt  }
0x68: {  	_ =	shalt  }
0x69: {  	_ =	shalt  }
0x6a: {  	_ =	shalt  }
0x6b: {  	_ =	shalt  }
0x6c: {  	_ =	shalt  }
0x6d: {  	_ =	shalt  }
0x6e: {  	_ =	shalt  }
0x6f: {  	_ =	shalt  }
0x70: {  	_ =	shalt  }
0x71: {  	_ =	shalt  }
0x72: {  	_ =	shalt  }
0x73: {  	_ =	shalt  }
0x74: {  	_ =	shalt  }
0x75: {  	_ =	shalt  }
0x76: {  	_ =	shalt  }
0x77: {  	_ =	shalt  }
0x78: {  	_ =	shalt  }
0x79: {  	_ =	shalt  }
0x7a: {  	_ =	shalt  }
0x7b: {  	_ =	shalt  }
0x7c: {  	_ =	shalt  }
0x7d: {  	_ =	shalt  }
0x7e: {  	_ =	shalt  }
0x7f: {  	_ =	shalt  }
0x80: {  	_ =	shalt  }
0x81: {  	_ =	shalt  }
0x82: {  	_ =	shalt  }
0x83: {  	_ =	shalt  }
0x84: {  	_ =	shalt  }
0x85: {  	_ =	shalt  }
0x86: {  	_ =	shalt  }
0x87: {  	_ =	shalt  }
.Lfunc_end0:
.L_simem_size_0:
called_computation_lowered:
.L_overlay_start_0:
0x88: {  	s2 =	sld [smem:$0x3FD9]  }
0x89: {  	s3 =	sld [smem:$0x3FFE];
	_ =	sdelay $0x1  }
0x8a: {  	s1 =	srdreg.scid  }
0x8b: {  	s0 =	sand.u32 $0x1, s1  }
0x8c: {  	s14 =	sshll.u32 s0, $0xA;
	s2 =	sadd.s32 s3, s2  }
0x8d: {  	s2 =	sadd.s32 s2, s14  }
0x8e: {  	[smem:$0x3FC4] =	sst s2  }
0x8f: {  	_ = 	snop  }
0x90: {  	s2 =	sld [smem:$0x3FC9]  }
0x91: {  	s15 =	sld [smem:$0x3FD0]  }
0x92: {  	s4 =	sld [smem:$0x3FC8]  }
0x93: {  	s5 =	sld [smem:$0x3FC7]  }
0x94: {  	s7 =	simm.s32 $0xA;
	s8 =	simm.s32 $0x10;
	s6 =	sld [smem:$0x3FC6]  }
0x95: {  	[smem:s8], [sflag:s7] =	dma.local [hbm:s15], $0x1  }
0x96: {  	_ =	swait.eq [sflag:s7], $0x1  }
0x97: {  	[sflag:s7] =	ssyncset.done $0x0  }
0x98: {  	s16 =	sld [smem:$0x10];
	[sflag:s7] =	ssyncadd.s32 $0xFFFFFFFF  }
0x99: {  	s17 =	sld [smem:$0x11];
	(tm) =	ssettm $0x1  }
0x9a: {  	s18 =	sld [smem:$0x3FFB];
	_ =	sdelay $0x3  }
0x9b: {  	_ =	strace s18  }
0x9c: {  	s8 =	sld [smem:$0x3FFC];
	_ =	sdelay $0x3  }
0x9d: {  	_ =	strace s8  }
0x9e: {  	s8 =	sld [smem:$0x3FFD];
	_ =	sdelay $0x3  }
0x9f: {  	_ =	strace s8  }
0xa0: {  	_ =	strace $0x8FFFFFFF  }
0xa1: {  	s19 =	sld [smem:$0x3FDB];
	_ =	sdelay $0x1  }
0xa2: {  	s9 =	simm.s32 $_scs_section_size  }
0xa3: {  	s10 =	simm.s32 $_size__tile_overlayer_lowered;
	s11 =	simm.s32 $_tile_overlayer_lowered  }
0xa4: {  	s22 =	simm.s32 $0x1BFF;
	s21 =	sshll.u32 s11, $0x1;
	s8 =	sadd.s32 s9, s19  }
0xa5: {  	s12 =	simm.s32 $0x0;
	s20 =	sshll.u32 s10, $0x1;
	s10 =	sadd.s32 s21, s8  }
0xa6: {  	[timem:s12], [sflag:s22] =	dma.local [hbm:s10], s20  }
0xa7: {  	_ =	swait.ge [sflag:s22], s20  }
0xa8: {  	s9 =	ssub.s32 $0x0, s20;
	[sflag:s22] =	ssyncset.done $0x0  }
0xa9: {  	[sflag:s22] =	ssyncadd.s32 s9;
	_ =	sdelay $0x1  }
0xaa: {  	s23 =	simm.s32 $0x1B8B  }
0xab: {  	_ =	swait.ge [sflag:s23], $0x1  }
0xac: {  	[sflag:s23] =	ssyncset.done $0x0  }
0xad: {  	s25 =	simm.s32 $0x1B8E;
	s24 =	sld [smem:$0x3FFE];
	[sflag:s23] =	ssyncadd.s32 $0xFFFFFFFF  }
0xae: {  	s26 =	simm.s32 $execute0_lowered;
	[smem:$0x3FD2] =	sst s25  }
0xaf: {  	s10 =	sshll.u32 s26, $0x1;
	_ =	strace $0x80000046;
	[dreg:$0x1] =	wrdreg $0xFFFFFFFF  }
0xb0: {  	s28 =	simm.s32 $_size_execute0_lowered;
	s8 =	sadd.s32 s8, s10;
	[dreg:$0x0] =	wrdreg $0x0  }
0xb1: {  	s10 =	sshll.u32 s28, $0x1;
	[dreg:$0x2] =	wrdreg s8  }
0xb2: {  	[dreg:$0x3] =	wrdreg s10  }
0xb3: {  	[dreg:$0x4] =	wrdreg $0xC0  }
0xb4: {  	_ =	task [dreg:s12], $0x5FFFF  }
0xb5: {  	[dreg:$0x1] =	wrdreg $0xFFFFFFFF  }
0xb6: {  	[dreg:$0x0] =	wrdreg $0x60  }
0xb7: {  	[dreg:$0x2] =	wrdreg s2  }
0xb8: {  	[dreg:$0x3] =	wrdreg s4  }
0xb9: {  	[dreg:$0x4] =	wrdreg s5  }
0xba: {  	[dreg:$0x5] =	wrdreg s6  }
0xbb: {  	[dreg:$0x6] =	wrdreg s24  }
0xbc: {  	[dreg:$0x7] =	wrdreg s17  }
0xbd: {  	[dreg:$0x8] =	wrdreg s16  }
0xbe: {  	[dreg:$0x9] =	wrdreg $0x9  }
0xbf: {  	_ =	task.clear_ibuf [dreg:s12], $0xAFFFF;
	_ =	strace $0x90000046  }
0xc0: {  	s29 =	simm.s32 $0x9;
	_ =	strace $0x80000048  }
0xc1: {  	_ =	swait.ge [sflag:s29], $0x1  }
0xc2: {  	[sflag:s29] =	ssyncadd.s32 $0xFFFFFFFF  }
0xc3: {  	_ =	strace $0x90000048  }
0xc4: {  	_ =	sfence  }
0xc5: {  	s30 =	sld [smem:$0x0];
	_ =	sdelay $0x2  }
0xc6: {  	s31 =	sshll.u32 s1, $0xD;
	s1 =	sshrl.u32 s1, $0x2  }
0xc7: {  	s3 =	sand.u32 $0x4000, s31;
	s1 =	sadd.s32 s1, s30  }
0xc8: {  	s0 =	sor.u32 s3, s0;
	s1 =	sshll.u32 s1, $0x11  }
0xc9: {  	s0 =	sor.u32 s1, s0  }
0xca: {  	s0 =	sadd.s32 $0x8F2B, s0  }
0xcb: {  	[sflag:s0] =	ssyncadd.remote.s32 $0x1  }
0xcc: {  	_ =	sfence.sel $0xFFFF  }
0xcd: {  	[dreg:$0x0] =	wrdreg $0xFFFFFFFF;
	(pc) =	sbr.abs _section_cstart, $3  }
0xce: {  	[dreg:$0x1] =	wrdreg $0xFFFFFFFF  }
0xcf: {  	_ =	task.clear_ibuf [dreg:s12], $0x2FFFF;
	_ =	strace $0x9FFFFFFF  }
0xd0: {  	(tm) =	ssettm $0x7FFFFFFF  }
0xd1: {  	_ =	shalt  }
tec
execute0_lowered:
.L_overlay_start_1:
0x0: {  	(tag) =	ssettag $0x1  }
0x1: {  	s1 =	rddreg [dreg:$0x0]  }
0x2: {  	s0 =	rddreg [dreg:$0x1]  }
0x3: {  	s2 =	rddreg [dreg:$0x3]  }
0x4: {  	s9 =	rddreg [dreg:$0x4];
	s3 =	srdreg.scid  }
0x5: {  	s5 =	stileid.u32;
	s4 =	rddreg [dreg:$0x6]  }
0x6: {  	s6 =	simm.s32 $0x0;
	s23 =	simm.s32 $0x18700;
	s24 =	simm.s32 $0x3  }
0x7: {  	s31 =	simm.s32 $0x1E200;
	s3 =	sand.u32 $0x1, s3;
	s5 =	sshll.u32 s5, $0x1  }
0x8: {  	[smem:$0x7FF] =	sst s6;
	s7 =	sadd.s32 $0x400, s9;
	s9 =	sadd.s32 $0x200, s9  }
0x9: {  	s5 =	sor.u32 s3, s5;
	_ =	strace $0x80000047;
	s3 =	ssub.s32 $0x2, s3  }
0xa: {  	s10 =	smul.u32 $0x30D, s5;
	s11 =	sshrl.u32 s3, $0x1;
	s30 =	sshll.u32 s5, $0x6  }
0xb: {  	p0 =	seq.s32 s5, $0x1F;
	s5 =	simm.s32 $0x0;
	s3 =	ssub.s32 s3, s11  }
0xc: {  	s15 =	sadd.s32 s4, s30;
	s4 =	simm.s32 $0x1E280;
	s8 =	sshrl.u32 s10, $0x5  }
0xd: {  	s29 =	sadd.s32 $0x30D, s10;
	s17 =	sadd.s32 $0x10, s15;
	s12 =	sshll.u32 s8, $0x7  }
0xe: {  	s18 =	sadd.s32 $0x20, s15;
	s19 =	sadd.s32 $0x30, s15;
	s10 =	smin.u32 s12, $0x17980  }
0xf: {  	s20 =	smax.u32 s3, $0x1;
	s11 =	sshrl.u32 s29, $0x5;
	s14 =	sshrl.u32 s10, $0x3  }
0x10: {  	s13 =	sadd.s32 s1, s14;
	s14 =	sadd.s32 s2, s14;
	s2 =	simm.f32 $1.000000000e+00  }
0x11: {  	s12 =	sadd.s32 s0, s12;
	s16 =	ssub.s32 s11, s8;
	s2 =	simm.s32 @!p0 $0x0  }
0x12: {  	v1 =	vimm.s32 $0x0;
	s1 =	simm.s32 $0x1E380;
	p0 =	slt.s32 s16, $0x1;
	v0 =	vmov s2;
	s2 =	simm.s32 $0x1E300  }
.LBB2_1:
0x13: {  	s3 =	simm.s32 $0x400;
	s21 =	simm.s32 $0xC3800  }
0x14: {  	[tilespmem:s23], [sflag:$0x1] =	stream.strided.gather [hbm4b:s12+s3], $0x2000, s21, s3, $0x38;
	[tilespmem:$0x1E400] =	vst v63  }
0x15: {  	s25 =	rddreg [dreg:$0x2]  }
0x16: {  	[tilespmem:s6], [sflag:$0x3] =	stream.linear.gather [hbm4b:s25+s6], $0x18680, $0x38;
	[tilespmem:$0x1E400] =	vst v63  }
0x17: {  	_ =	swait.ge [sflag:s24], $0x18680  }
0x18: {  	[sflag:s24] =	ssyncset.done $0x0  }
0x19: {  	[sflag:s24] =	ssyncadd.s32 $0xFFFE7980  }
0x1a: {  	s28 =	simm.s32 $0x18680;
	s26 =	rddreg [dreg:$0x5]  }
0x1b: {  	[tilespmem:s28], [sflag:$0x3] =	stream.linear.gather [hbm4b:s26+s6], $0x80, $0x38;
	[tilespmem:$0x1E400] =	vst v63  }
0x1c: {  	_ =	swait.ge [sflag:s24], $0x80  }
0x1d: {  	[sflag:s24] =	ssyncset.done $0x0  }
0x1e: {  	s29 =	simm.s32 $0x1C700;
	[sflag:s24] =	ssyncadd.s32 $0xFFFFFF80  }
0x1f: {  	[tilespmem:s29], [sflag:$0x3] =	stream.linear.gather [hbm4b:s13+s6], $0xD00, $0x38;
	[tilespmem:$0x1E400] =	vst v63  }
0x20: {  	_ =	swait.ge [sflag:s24], $0xD00  }
0x21: {  	[sflag:s24] =	ssyncset.done $0x0  }
.Ltmp0:
0x22: {  	s30 =	simm.s32 $0x1D400;
	[sflag:s24] =	ssyncadd.s32 $0xFFFFF300;
	(pc) =	sbr.rel @p0 .LBB2_7-.Ltmp0, $4  }
0x23: {  	[tilespmem:s30], [sflag:$0x3] =	stream.linear.gather [hbm4b:s14+s6], $0xD00, $0x38;
	[tilespmem:$0x1E400] =	vst v63  }
0x24: {  	_ =	swait.ge [sflag:s24], $0xD00  }
0x25: {  	v2 =	vimm.f32 $0.0e+00;
	[sflag:s24] =	ssyncset.done $0x0  }
0x26: {  	p1 =	por $0x0, $0x0;
	v3 =	vimm.f32 $0.0e+00;
	v4 =	vimm.f32 $0.0e+00;
	v5 =	vimm.f32 $0.0e+00;
	s21 =	simm.s32 $0x0;
	[sflag:s24] =	ssyncadd.s32 $0xFFFFF300  }
.LBB2_2:
0x27: {  	s3 =	sadd.s32 s8, s21  }
0x28: {  	s22 =	sadd.s32 $0x1, s3  }
0x29: {  	s25 =	sand.u32 $0x1, s21;
	p2 =	sge.u32 s22, s11  }
0x2a: {  	s26 =	sxor.u32 @!p2 $0x1, s25;
	s22 =	sshll.u32 @!p2 s22, $0x7  }
0x2b: {  	s29 =	simm.s32 @!p2 $0x400;
	s30 =	simm.s32 @!p2 $0xC3800;
	s28 =	sshll.u32 @!p2 s26, $0xD  }
0x2c: {  	s26 =	sadd.s32 @!p2 $0x1, s26;
	s22 =	sadd.s32 @!p2 s0, s22;
	s28 =	sor.u32 @!p2 $0x18700, s28  }
0x2d: {  	[tilespmem:s28], [sflag:s26] =	stream.strided.gather @!p2 [hbm4b:s22+s29], $0x2000, s30, s29, $0x38;
	[tilespmem:$0x1E400] =	vst v63  }
0x2e: {  	s25 =	sadd.s32 $0x1, s25;
	s22 =	simm.s32 $0x1  }
0x2f: {  	s3 =	sshll.u32 s3, $0x7;
	s22 =	simm.s32 @!p1 $0x0;
	_ =	swait.ge [sflag:s25], $0x2000  }
0x30: {  	s30 =	ssub.s32 s3, s10;
	s22 =	sshll.u32 s22, $0xD;
	[sflag:s25] =	ssyncset.done $0x0  }
0x31: {  	v6 =	vmov s3;
	v7 =	vmov s30;
	s22 =	sor.u32 $0x18900, s22;
	[sflag:s25] =	ssyncadd.s32 $0xFFFFE000;
	s25 =	simm.s32 $0x0  }
.LBB2_3:
0x32: {  	v9 =	vmov s22;
	_ =	sdelay $0x2  }
0x33: {  	s26 =	sshll.u32 s25, $0x4  }
0x34: {  	s3 =	simm.s32 $0x0;
	v8 =	vld.idx.msk [tilespmem:v6+s26+$0x0 ss:$0x1], $0xffff  }
0x35: {  	v10 =	vld.idx.msk [tilespmem:v9+s3+$0xFFFFFE00 ss:$0x1], $0xffff  }
0x36: {  	v11 =	vld.idx.msk [tilespmem:v9+s3+$0xFFFFFE80 ss:$0x1], $0xffff  }
0x37: {  	v12 =	vld.idx.msk [tilespmem:v9+s3+$0xFFFFFF00 ss:$0x1], $0xffff  }
0x38: {  	v13 =	vld.idx.msk [tilespmem:v9+s3+$0xFFFFFF80 ss:$0x1], $0xffff  }
0x39: {  	v16 =	vld.idx.msk [tilespmem:v9+s3+$0x0 ss:$0x1], $0xffff  }
0x3a: {  	v17 =	vld.idx.msk [tilespmem:v9+s3+$0x80 ss:$0x1], $0xffff  }
0x3b: {  	v18 =	vld.idx.msk [tilespmem:v9+s3+$0x100 ss:$0x1], $0xffff  }
0x3c: {  	v19 =	vld.idx.msk [tilespmem:v9+s3+$0x180 ss:$0x1], $0xffff  }
0x3d: {  	v10 =	vld.idx.msk [tilespmem:v10+s6+$0x0], $0xffff  }
0x3e: {  	v11 =	vld.idx.msk [tilespmem:v11+s6+$0x0], $0xffff  }
0x3f: {  	v15 =	vld.idx.msk [tilespmem:v12+s6+$0x0], $0xffff  }
0x40: {  	v14 =	vld.idx.msk [tilespmem:v13+s6+$0x0], $0xffff  }
0x41: {  	v13 =	vld.idx.msk [tilespmem:v16+s6+$0x0], $0xffff  }
0x42: {  	v12 =	vld.idx.msk [tilespmem:v17+s6+$0x0], $0xffff  }
0x43: {  	vm0 =	veq.s32 v10, v8;
	v10 =	vld.idx.msk [tilespmem:v18+s6+$0x0], $0xffff  }
0x44: {  	s28 =	simm.s32 $0x2000;
	s3 =	simm.s32 $0x400;
	v16 =	vimm.s32 $0x0;
	v17 =	vsel vm0, $0x1, v1;
	vm0 =	veq.s32 v11, v8;
	v11 =	vld.idx.msk [tilespmem:v19+s6+$0x0], $0xffff  }
.LBB2_4:
0x45: {  	p2 =	sne.s32 s28, $0x7000;
	v18 =	vld.idx.msk [tilespmem:v9+s3+$0xFFFFFE00 ss:$0x1], $0xffff;
	v16 =	vadd.s32 v17, v16;
	v17 =	vsel vm0, $0x1, v1;
	vm0 =	veq.s32 v15, v8  }
0x46: {  	v15 =	vld.idx.msk [tilespmem:v9+s3+$0xFFFFFE80 ss:$0x1], $0xffff;
	v16 =	vadd.s32 v17, v16;
	v17 =	vsel vm0, $0x1, v1;
	vm0 =	veq.s32 v14, v8  }
0x47: {  	v14 =	vld.idx.msk [tilespmem:v9+s3+$0xFFFFFF00 ss:$0x1], $0xffff;
	v16 =	vadd.s32 v17, v16;
	v17 =	vsel vm0, $0x1, v1;
	vm0 =	veq.s32 v13, v8  }
0x48: {  	v13 =	vld.idx.msk [tilespmem:v9+s3+$0xFFFFFF80 ss:$0x1], $0xffff;
	v16 =	vadd.s32 v17, v16;
	v17 =	vsel vm0, $0x1, v1;
	vm0 =	veq.s32 v12, v8  }
0x49: {  	v12 =	vld.idx.msk [tilespmem:v9+s3+$0x0 ss:$0x1], $0xffff;
	v16 =	vadd.s32 v17, v16;
	v17 =	vsel vm0, $0x1, v1;
	vm0 =	veq.s32 v10, v8  }
0x4a: {  	v10 =	vld.idx.msk [tilespmem:v9+s3+$0x80 ss:$0x1], $0xffff;
	v16 =	vadd.s32 v17, v16;
	v17 =	vsel vm0, $0x1, v1;
	vm0 =	veq.s32 v11, v8  }
0x4b: {  	v11 =	vld.idx.msk [tilespmem:v9+s3+$0x100 ss:$0x1], $0xffff;
	v16 =	vadd.s32 v17, v16;
	v17 =	vsel vm0, $0x1, v1  }
0x4c: {  	v19 =	vld.idx.msk [tilespmem:v9+s3+$0x180 ss:$0x1], $0xffff;
	v16 =	vadd.s32 v17, v16  }
0x4d: {  	v17 =	vld.idx.msk [tilespmem:v18+s6+$0x0], $0xffff  }
0x4e: {  	v18 =	vld.idx.msk [tilespmem:v15+s6+$0x0], $0xffff  }
0x4f: {  	v15 =	vld.idx.msk [tilespmem:v14+s6+$0x0], $0xffff  }
.Ltmp1:
0x50: {  	v14 =	vld.idx.msk [tilespmem:v13+s6+$0x0], $0xffff;
	(pc) =	sbr.rel @p2 .LBB2_4-.Ltmp1, $4  }
0x51: {  	v13 =	vld.idx.msk [tilespmem:v12+s6+$0x0], $0xffff  }
0x52: {  	v12 =	vld.idx.msk [tilespmem:v10+s6+$0x0], $0xffff  }
0x53: {  	vm0 =	veq.s32 v17, v8;
	v10 =	vld.idx.msk [tilespmem:v11+s6+$0x0], $0xffff  }
0x54: {  	s3 =	sshra.s32 s28, $0x2;
	s28 =	sadd.s32 $0x1000, s28;
	v17 =	vsel vm0, $0x1, v1;
	vm0 =	veq.s32 v18, v8;
	v11 =	vld.idx.msk [tilespmem:v19+s6+$0x0], $0xffff  }
0x55: {  	_ =	sdelay $0x3  }
0x56: {  	v18 =	vld.idx.msk [tilespmem:v9+s3+$0xFFFFFE00 ss:$0x1], $0xffff  }
0x57: {  	v19 =	vld.idx.msk [tilespmem:v9+s3+$0xFFFFFE80 ss:$0x1], $0xffff  }
0x58: {  	v20 =	vld.idx.msk [tilespmem:v9+s3+$0xFFFFFF00 ss:$0x1], $0xffff  }
0x59: {  	v21 =	vld.idx.msk [tilespmem:v9+s3+$0xFFFFFF80 ss:$0x1], $0xffff  }
0x5a: {  	v22 =	vld.idx.msk [tilespmem:v9+s3+$0x0 ss:$0x1], $0xffff  }
0x5b: {  	v23 =	vld.idx.msk [tilespmem:v9+s3+$0x80 ss:$0x1], $0xffff  }
0x5c: {  	v24 =	vld.idx.msk [tilespmem:v9+s3+$0x100 ss:$0x1], $0xffff  }
0x5d: {  	v16 =	vadd.s32 v17, v16;
	v26 =	vsel vm0, $0x1, v1;
	vm11 =	veq.s32 v15, v8;
	v27 =	vld.idx.msk [tilespmem:v9+s3+$0x180 ss:$0x1], $0xffff  }
0x5e: {  	vm12 =	veq.s32 v14, v8;
	v28 =	vadd.s32 v26, v16;
	v29 =	vsel vm11, $0x1, v1;
	v30 =	vld.idx.msk [tilespmem:v18+s6+$0x0], $0xffff  }
0x5f: {  	v31 =	vsel vm12, $0x1, v1;
	vm13 =	veq.s32 v13, v8;
	v15 =	vadd.s32 v29, v28;
	v32 =	vld.idx.msk [tilespmem:v19+s6+$0x0], $0xffff  }
0x60: {  	v33 =	vsel vm13, $0x1, v1;
	vm14 =	veq.s32 v12, v8;
	v15 =	vadd.s32 v31, v15;
	v34 =	vld.idx.msk [tilespmem:v20+s6+$0x0], $0xffff  }
0x61: {  	v35 =	vsel vm14, $0x1, v1;
	vm15 =	veq.s32 v10, v8;
	v15 =	vadd.s32 v33, v15;
	v36 =	vld.idx.msk [tilespmem:v21+s6+$0x0], $0xffff  }
0x62: {  	v37 =	vsel vm15, $0x1, v1;
	vm4 =	veq.s32 v11, v8;
	v15 =	vadd.s32 v35, v15;
	v38 =	vld.idx.msk [tilespmem:v22+s6+$0x0], $0xffff  }
0x63: {  	v39 =	vsel vm4, $0x1, v1;
	v15 =	vadd.s32 v37, v15;
	v40 =	vld.idx.msk [tilespmem:v23+s6+$0x0], $0xffff;
	vm5 =	veq.s32 v30, v8  }
0x64: {  	v41 =	vadd.s32 v39, v15;
	v42 =	vld.idx.msk [tilespmem:v24+s6+$0x0], $0xffff;
	vm6 =	veq.s32 v32, v8;
	v43 =	vsel vm5, $0x1, v1  }
0x65: {  	v9 =	vld.idx.msk [tilespmem:v27+s6+$0x0], $0xffff;
	vm7 =	veq.s32 v34, v8;
	v45 =	vsel vm6, $0x1, v1;
	v44 =	vadd.s32 v43, v41  }
0x66: {  	vm8 =	veq.s32 v36, v8;
	v47 =	vsel vm7, $0x1, v1;
	v46 =	vadd.s32 v45, v44  }
0x67: {  	v50 =	vld.idx.msk [tilespmem:v7+s26+$0x1C700 ss:$0x1], $0xffff;
	vm9 =	veq.s32 v38, v8;
	v49 =	vsel vm8, $0x1, v1;
	v48 =	vadd.s32 v47, v46  }
0x68: {  	vm10 =	veq.s32 v40, v8;
	v51 =	vsel vm9, $0x1, v1;
	v10 =	vadd.s32 v49, v48  }
0x69: {  	vm11 =	veq.s32 v42, v8;
	v52 =	vsel vm10, $0x1, v1;
	v10 =	vadd.s32 v51, v10  }
0x6a: {  	vm12 =	veq.s32 v9, v8;
	v53 =	vsel vm11, $0x1, v1;
	v10 =	vadd.s32 v52, v10  }
0x6b: {  	v55 =	vsel vm12, $0x1, v1;
	v54 =	vadd.s32 v53, v10  }
0x6c: {  	v56 =	vmax.f32 v50, $1.000000010e-07;
	v9 =	vadd.s32 v55, v54  }
0x6d: {  	v10 =	vmin.f32 v56, $9.999998800e-01;
	v9 =	vmul.u32 $0xA, v9  }
0x6e: {  	v57 =	vsub.f32 $1.000000000e+00, v10  }
0x6f: {  	vm13 =	vgt.s32 v9, $0x240  }
0x70: {  	v9 =	vsel vm13, v10, v57  }
0x71: {  	v10 =	vand.u32 $0x7FFFFF, v9  }
0x72: {  	v10 =	vor.u32 $0x3F800000, v10  }
0x73: {  	v58 =	vmul.f32 $5.000000000e-01, v10  }
0x74: {  	vm14 =	vgt.f32 v10, $1.414213540e+00  }
0x75: {  	v10 =	vsel vm14, v58, v10  }
0x76: {  	v11 =	vadd.f32 $1.000000000e+00, v10;
	_ =	sdelay $0x1  }
0x77: {  	(erf) = vrcp.f32 v11;
	_ =	sdelay $0x7  }
0x78: {  	v10 =	vadd.f32 $-1.000000000e+00, v10  }
0x79: {  	v11 =	vpop (erf)  }
0x7a: {  	v10 =	vmul.f32 v11, v10;
	_ =	sdelay $0x1  }
0x7b: {  	v11 =	vmul.f32 v10, v10;
	_ =	sdelay $0x1  }
0x7c: {  	v59 =	vmul.f32 $1.111111120e-01, v11;
	_ =	sdelay $0x1  }
0x7d: {  	v12 =	vadd.f32 $1.428571490e-01, v59;
	_ =	sdelay $0x1  }
0x7e: {  	v12 =	vmul.f32 v12, v11;
	_ =	sdelay $0x1  }
0x7f: {  	v12 =	vadd.f32 $2.000000030e-01, v12;
	_ =	sdelay $0x1  }
0x80: {  	v12 =	vmul.f32 v12, v11;
	_ =	sdelay $0x1  }
0x81: {  	v12 =	vadd.f32 $3.333333430e-01, v12  }
0x82: {  	v9 =	vshra.s32 v9, $0x17;
	v60 =	vsel vm14, $0x1, v1  }
0x83: {  	v9 =	vadd.s32 v60, v9;
	v11 =	vmul.f32 v12, v11  }
0x84: {  	v9 =	vadd.s32 $0xFFFFFF81, v9  }
0x85: {  	v9 =	vcvt.s32.f32 v9;
	v10 =	vadd.f32 v10, v10;
	v11 =	vadd.f32 $1.000000000e+00, v11  }
0x86: {  	v61 =	vld.idx.msk [tilespmem:v7+s26+$0x1D400 ss:$0x1], $0xffff  }
0x87: {  	v9 =	vmul.f32 $6.931471820e-01, v9;
	v10 =	vmul.f32 v11, v10;
	_ =	sdelay $0x1  }
0x88: {  	s25 =	sadd.s32 $0x1, s25;
	vm15 =	vgt.s32 v8, $0xFFFFFFFF;
	v9 =	vadd.f32 v10, v9  }
0x89: {  	p2 =	sne.s32 s25, $0x8;
	v8 =	vsel vm15, $0x3F800000, v1  }
.Ltmp2:
0x8a: {  	v62 =	vmul.f32 v8, v61;
	v8 =	vsub.f32 $1.000000000e+00, v8;
	v9 =	vsub.f32 $0.0e+00, v9;
	(pc) =	sbr.rel @p2 .LBB2_3-.Ltmp2, $4  }
0x8b: {  	_ = 	snop  }
0x8c: {  	v63 =	vmul.f32 v9, v62;
	v9 =	vmul.f32 v9, v8  }
0x8d: {  	v4 =	vadd.f32 v62, v4;
	v2 =	vadd.f32 v8, v2  }
0x8e: {  	s22 =	sadd.s32 $0x10, s22;
	v5 =	vadd.f32 v63, v5;
	v3 =	vadd.f32 v9, v3  }
0x8f: {  	s21 =	sadd.s32 $0x1, s21  }
0x90: {  	p2 =	slt.s32 s21, s16  }
.Ltmp3:
0x91: {  	_ = 	snop;
	(pc) =	sbr.rel @p2 .LBB2_2-.Ltmp3, $2  }
0x92: {  	_ =	sdelay $0x2  }
0x93: {  	p1 =	por !p1, !p1  }
.LBB2_7:
0x94: {  	s3 =	simm.s32 $0x0  }
0x95: {  	[tilespmem:s23], [sflag:$0x3] =	stream.linear.gather [hbm4b:s7+s3], $0x2000, $0x38;
	[tilespmem:$0x1E400] =	vst v63  }
0x96: {  	_ =	swait.ge [sflag:s24], $0x2000  }
0x97: {  	[sflag:s24] =	ssyncset.done $0x0  }
0x98: {  	[sflag:s24] =	ssyncadd.s32 $0xFFFFE000  }
0x99: {  	s22 =	simm.s32 $0x1E100;
	s21 =	rddreg [dreg:$0x4]  }
0x9a: {  	[tilespmem:s22], [sflag:$0x3] =	stream.linear.gather [hbm4b:s21+s3], $0x80, $0x38;
	[tilespmem:$0x1E400] =	vst v63  }
0x9b: {  	_ =	swait.ge [sflag:s24], $0x80  }
0x9c: {  	[sflag:s24] =	ssyncset.done $0x0  }
0x9d: {  	s29 =	simm.s32 $0x1E180;
	[sflag:s24] =	ssyncadd.s32 $0xFFFFFF80  }
0x9e: {  	[tilespmem:s29], [sflag:$0x3] =	stream.linear.gather [hbm4b:s9+s3], $0x80, $0x38;
	[tilespmem:$0x1E400] =	vst v63  }
0x9f: {  	_ =	swait.ge [sflag:s24], $0x80  }
0xa0: {  	[sflag:s24] =	ssyncset.done $0x0  }
0xa1: {  	[sflag:s24] =	ssyncadd.s32 $0xFFFFFF80  }
0xa2: {  	s30 =	simm.s32 $0x0;
	v6 =	vld [tilespmem:$0x18680]  }
0xa3: {  	v7 =	vld [tilespmem:s30+$0x18700]  }
0xa4: {  	v8 =	vld [tilespmem:s30+$0x18780]  }
0xa5: {  	v9 =	vld [tilespmem:s30+$0x18800]  }
0xa6: {  	v10 =	vld [tilespmem:s30+$0x18880]  }
0xa7: {  	v11 =	vld [tilespmem:s30+$0x18900]  }
0xa8: {  	v12 =	vld [tilespmem:s30+$0x18980]  }
0xa9: {  	v15 =	vld [tilespmem:s30+$0x18A00]  }
0xaa: {  	v17 =	vld [tilespmem:s30+$0x18A80]  }
0xab: {  	v7 =	vld.idx.msk [tilespmem:v7+s6+$0x0], $0xffff  }
0xac: {  	v18 =	vld.idx.msk [tilespmem:v8+s6+$0x0], $0xffff  }
0xad: {  	v8 =	vld.idx.msk [tilespmem:v9+s6+$0x0], $0xffff  }
0xae: {  	v14 =	vld.idx.msk [tilespmem:v10+s6+$0x0], $0xffff  }
0xaf: {  	v13 =	vld.idx.msk [tilespmem:v11+s6+$0x0], $0xffff  }
0xb0: {  	v12 =	vld.idx.msk [tilespmem:v12+s6+$0x0], $0xffff  }
0xb1: {  	v10 =	vld.idx.msk [tilespmem:v15+s6+$0x0], $0xffff;
	vm0 =	veq.s32 v7, v6  }
0xb2: {  	s21 =	simm.s32 $0x2000;
	s3 =	simm.s32 $0x400;
	v15 =	vimm.s32 $0x0;
	v11 =	vld.idx.msk [tilespmem:v17+s6+$0x0], $0xffff;
	v16 =	vsel vm0, $0x1, v1;
	vm0 =	veq.s32 v18, v6  }
.LBB2_8:
0xb3: {  	p1 =	sne.s32 s21, $0x7000;
	v7 =	vld [tilespmem:s3+$0x18700];
	v9 =	vadd.s32 v16, v15;
	v15 =	vsel vm0, $0x1, v1;
	vm0 =	veq.s32 v8, v6  }
0xb4: {  	v8 =	vld [tilespmem:s3+$0x18780];
	v9 =	vadd.s32 v15, v9;
	v15 =	vsel vm0, $0x1, v1;
	vm0 =	veq.s32 v14, v6  }
0xb5: {  	v14 =	vld [tilespmem:s3+$0x18800];
	v9 =	vadd.s32 v15, v9;
	v15 =	vsel vm0, $0x1, v1;
	vm0 =	veq.s32 v13, v6  }
0xb6: {  	v13 =	vld [tilespmem:s3+$0x18880];
	v9 =	vadd.s32 v15, v9;
	v15 =	vsel vm0, $0x1, v1;
	vm0 =	veq.s32 v12, v6  }
0xb7: {  	v12 =	vld [tilespmem:s3+$0x18900];
	v9 =	vadd.s32 v15, v9;
	v15 =	vsel vm0, $0x1, v1;
	vm0 =	veq.s32 v10, v6  }
0xb8: {  	v10 =	vld [tilespmem:s3+$0x18980];
	v9 =	vadd.s32 v15, v9;
	v15 =	vsel vm0, $0x1, v1;
	vm0 =	veq.s32 v11, v6  }
0xb9: {  	v11 =	vld [tilespmem:s3+$0x18A00];
	v9 =	vadd.s32 v15, v9;
	v15 =	vsel vm0, $0x1, v1  }
0xba: {  	v17 =	vld [tilespmem:s3+$0x18A80];
	v15 =	vadd.s32 v15, v9  }
0xbb: {  	v7 =	vld.idx.msk [tilespmem:v7+s6+$0x0], $0xffff  }
0xbc: {  	v9 =	vld.idx.msk [tilespmem:v8+s6+$0x0], $0xffff  }
0xbd: {  	v8 =	vld.idx.msk [tilespmem:v14+s6+$0x0], $0xffff  }
.Ltmp4:
0xbe: {  	v14 =	vld.idx.msk [tilespmem:v13+s6+$0x0], $0xffff;
	(pc) =	sbr.rel @p1 .LBB2_8-.Ltmp4, $4  }
0xbf: {  	v13 =	vld.idx.msk [tilespmem:v12+s6+$0x0], $0xffff  }
0xc0: {  	v12 =	vld.idx.msk [tilespmem:v10+s6+$0x0], $0xffff  }
0xc1: {  	vm0 =	veq.s32 v7, v6;
	v10 =	vld.idx.msk [tilespmem:v11+s6+$0x0], $0xffff  }
0xc2: {  	s3 =	sshra.s32 s21, $0x2;
	s21 =	sadd.s32 $0x1000, s21;
	v16 =	vsel vm0, $0x1, v1;
	vm0 =	veq.s32 v9, v6;
	v11 =	vld.idx.msk [tilespmem:v17+s6+$0x0], $0xffff  }
0xc3: {  	v7 =	vld [tilespmem:s3+$0x18700]  }
0xc4: {  	v9 =	vld [tilespmem:s3+$0x18780]  }
0xc5: {  	v17 =	vld [tilespmem:s3+$0x18800]  }
0xc6: {  	v18 =	vld [tilespmem:s3+$0x18880]  }
0xc7: {  	v19 =	vld [tilespmem:s3+$0x18900]  }
0xc8: {  	v20 =	vld [tilespmem:s3+$0x18980]  }
0xc9: {  	v21 =	vld [tilespmem:s3+$0x18A00]  }
0xca: {  	v22 =	vld [tilespmem:s3+$0x18A80]  }
0xcb: {  	v15 =	vadd.s32 v16, v15;
	v16 =	vsel vm0, $0x1, v1;
	vm0 =	veq.s32 v8, v6;
	v8 =	vld [tilespmem:$0x18690];
	s30 =	simm.s32 $0x0  }
0xcc: {  	v15 =	vadd.s32 v16, v15;
	v16 =	vsel vm0, $0x1, v1;
	vm0 =	veq.s32 v14, v6;
	v14 =	vld [tilespmem:s30+$0x18710]  }
0xcd: {  	v62 =	vld [tilespmem:s30+$0x18990]  }
0xce: {  	v63 =	vld [tilespmem:s30+$0x18A10]  }
0xcf: {  	v25 =	vld [tilespmem:s30+$0x18A90]  }
0xd0: {  	v15 =	vadd.s32 v16, v15;
	v16 =	vsel vm0, $0x1, v1;
	vm0 =	veq.s32 v13, v6;
	v13 =	vld [tilespmem:s30+$0x18790]  }
0xd1: {  	v15 =	vadd.s32 v16, v15;
	v16 =	vsel vm0, $0x1, v1;
	vm0 =	veq.s32 v12, v6;
	v12 =	vld [tilespmem:s30+$0x18810]  }
0xd2: {  	v15 =	vadd.s32 v16, v15;
	v16 =	vsel vm0, $0x1, v1;
	vm0 =	veq.s32 v10, v6;
	v10 =	vld [tilespmem:s30+$0x18890]  }
0xd3: {  	v15 =	vadd.s32 v16, v15;
	v16 =	vsel vm0, $0x1, v1;
	vm0 =	veq.s32 v11, v6;
	v11 =	vld [tilespmem:s30+$0x18910]  }
0xd4: {  	v23 =	vld.idx.msk [tilespmem:v7+s6+$0x0], $0xffff  }
0xd5: {  	v24 =	vld.idx.msk [tilespmem:v9+s6+$0x0], $0xffff  }
0xd6: {  	v17 =	vld.idx.msk [tilespmem:v17+s6+$0x0], $0xffff  }
0xd7: {  	v18 =	vld.idx.msk [tilespmem:v18+s6+$0x0], $0xffff  }
0xd8: {  	v19 =	vld.idx.msk [tilespmem:v19+s6+$0x0], $0xffff  }
0xd9: {  	v20 =	vld.idx.msk [tilespmem:v20+s6+$0x0], $0xffff  }
0xda: {  	v21 =	vld.idx.msk [tilespmem:v21+s6+$0x0], $0xffff  }
0xdb: {  	v15 =	vadd.s32 v16, v15;
	v16 =	vsel vm0, $0x1, v1;
	v22 =	vld.idx.msk [tilespmem:v22+s6+$0x0], $0xffff;
	vm0 =	veq.s32 v23, v6  }
0xdc: {  	v15 =	vadd.s32 v16, v15;
	v9 =	vld [tilespmem:$0x1E100];
	v16 =	vsel vm0, $0x1, v1;
	vm0 =	veq.s32 v24, v6  }
0xdd: {  	v7 =	vld [tilespmem:$0x1E180];
	v15 =	vadd.s32 v16, v15;
	v16 =	vsel vm0, $0x1, v1;
	vm0 =	veq.s32 v17, v6  }
0xde: {  	v13 =	vld.idx.msk [tilespmem:v13+s6+$0x0], $0xffff;
	v15 =	vadd.s32 v16, v15;
	v16 =	vsel vm0, $0x1, v1;
	vm0 =	veq.s32 v18, v6  }
0xdf: {  	v17 =	vld.idx.msk [tilespmem:v14+s6+$0x0], $0xffff;
	v14 =	vadd.s32 v16, v15;
	v15 =	vsel vm0, $0x1, v1;
	vm0 =	veq.s32 v19, v6  }
0xe0: {  	v16 =	vld.idx.msk [tilespmem:v12+s6+$0x0], $0xffff;
	v14 =	vadd.s32 v15, v14;
	v15 =	vsel vm0, $0x1, v1;
	vm0 =	veq.s32 v20, v6  }
0xe1: {  	v12 =	vadd.s32 v15, v14;
	v14 =	vsel vm0, $0x1, v1;
	vm0 =	veq.s32 v21, v6;
	v15 =	vld.idx.msk [tilespmem:v10+s6+$0x0], $0xffff  }
0xe2: {  	v10 =	vadd.s32 v14, v12;
	v12 =	vsel vm0, $0x1, v1;
	vm0 =	veq.s32 v22, v6;
	v14 =	vld.idx.msk [tilespmem:v11+s6+$0x0], $0xffff  }
0xe3: {  	v10 =	vadd.s32 v12, v10;
	v11 =	vsel vm0, $0x1, v1;
	v12 =	vld.idx.msk [tilespmem:v62+s6+$0x0], $0xffff  }
0xe4: {  	vm0 =	veq.s32 v17, v8;
	v10 =	vadd.s32 v11, v10;
	v11 =	vld.idx.msk [tilespmem:v63+s6+$0x0], $0xffff  }
0xe5: {  	s3 =	simm.s32 $0x400;
	s21 =	simm.s32 $0x2000;
	v17 =	vimm.s32 $0x0;
	v18 =	vsel vm0, $0x1, v1;
	vm0 =	veq.s32 v13, v8;
	v13 =	vld.idx.msk [tilespmem:v25+s6+$0x0], $0xffff  }
.LBB2_10:
0xe6: {  	p1 =	sne.s32 s21, $0x7000;
	v19 =	vld [tilespmem:s3+$0x18710];
	v17 =	vadd.s32 v18, v17;
	v18 =	vsel vm0, $0x1, v1;
	vm0 =	veq.s32 v16, v8  }
0xe7: {  	v16 =	vld [tilespmem:s3+$0x18790];
	v17 =	vadd.s32 v18, v17;
	v18 =	vsel vm0, $0x1, v1;
	vm0 =	veq.s32 v15, v8  }
0xe8: {  	v15 =	vld [tilespmem:s3+$0x18810];
	v17 =	vadd.s32 v18, v17;
	v18 =	vsel vm0, $0x1, v1;
	vm0 =	veq.s32 v14, v8  }
0xe9: {  	v14 =	vld [tilespmem:s3+$0x18890];
	v17 =	vadd.s32 v18, v17;
	v18 =	vsel vm0, $0x1, v1;
	vm0 =	veq.s32 v12, v8  }
0xea: {  	v12 =	vld [tilespmem:s3+$0x18910];
	v17 =	vadd.s32 v18, v17;
	v18 =	vsel vm0, $0x1, v1;
	vm0 =	veq.s32 v11, v8  }
0xeb: {  	v11 =	vld [tilespmem:s3+$0x18990];
	v17 =	vadd.s32 v18, v17;
	v18 =	vsel vm0, $0x1, v1;
	vm0 =	veq.s32 v13, v8  }
0xec: {  	v13 =	vld [tilespmem:s3+$0x18A10];
	v17 =	vadd.s32 v18, v17;
	v18 =	vsel vm0, $0x1, v1  }
0xed: {  	v20 =	vld [tilespmem:s3+$0x18A90];
	v17 =	vadd.s32 v18, v17  }
0xee: {  	v18 =	vld.idx.msk [tilespmem:v19+s6+$0x0], $0xffff  }
0xef: {  	v19 =	vld.idx.msk [tilespmem:v16+s6+$0x0], $0xffff  }
0xf0: {  	v16 =	vld.idx.msk [tilespmem:v15+s6+$0x0], $0xffff  }
.Ltmp5:
0xf1: {  	v15 =	vld.idx.msk [tilespmem:v14+s6+$0x0], $0xffff;
	(pc) =	sbr.rel @p1 .LBB2_10-.Ltmp5, $4  }
0xf2: {  	v14 =	vld.idx.msk [tilespmem:v12+s6+$0x0], $0xffff  }
0xf3: {  	v12 =	vld.idx.msk [tilespmem:v11+s6+$0x0], $0xffff  }
0xf4: {  	vm0 =	veq.s32 v18, v8;
	v11 =	vld.idx.msk [tilespmem:v13+s6+$0x0], $0xffff  }
0xf5: {  	s3 =	sshra.s32 s21, $0x2;
	s21 =	sadd.s32 $0x1000, s21;
	v18 =	vsel vm0, $0x1, v1;
	vm0 =	veq.s32 v19, v8;
	v13 =	vld.idx.msk [tilespmem:v20+s6+$0x0], $0xffff  }
0xf6: {  	v19 =	vld [tilespmem:s3+$0x18710]  }
0xf7: {  	v20 =	vld [tilespmem:s3+$0x18790]  }
0xf8: {  	v21 =	vld [tilespmem:s3+$0x18810]  }
0xf9: {  	v22 =	vld [tilespmem:s3+$0x18890]  }
0xfa: {  	v23 =	vld [tilespmem:s3+$0x18910]  }
0xfb: {  	v24 =	vld [tilespmem:s3+$0x18990];
	v17 =	vadd.s32 v18, v17  }
0xfc: {  	v25 =	vld [tilespmem:s3+$0x18A10];
	v58 =	vsel vm0, $0x1, v1;
	vm9 =	veq.s32 v16, v8;
	vm1 =	veq.s32 v15, v8  }
0xfd: {  	v59 =	vld [tilespmem:s3+$0x18A90];
	v9 =	vmax.f32 v9, $1.000000010e-07;
	v10 =	vmul.u32 $0xA, v10;
	v17 =	vadd.s32 v58, v17  }
0xfe: {  	v60 =	vsel vm9, $0x1, v1;
	vm10 =	veq.s32 v14, v8;
	v62 =	vsel vm1, $0x1, v1;
	v61 =	vld.idx.msk [tilespmem:v19+s6+$0x0], $0xffff  }
0xff: {  	v9 =	vmin.f32 v9, $9.999998800e-01;
	v15 =	vadd.s32 v60, v17;
	vm11 =	veq.s32 v12, v8;
	v63 =	vld.idx.msk [tilespmem:v20+s6+$0x0], $0xffff  }
0x100: {  	v38 =	vsub.f32 $1.000000000e+00, v9;
	v14 =	vadd.s32 v62, v15;
	v20 =	vsel vm10, $0x1, v1;
	v21 =	vld.idx.msk [tilespmem:v21+s6+$0x0], $0xffff  }
0x101: {  	vm12 =	veq.s32 v11, v8;
	v26 =	vsel vm11, $0x1, v1;
	v27 =	vld.idx.msk [tilespmem:v22+s6+$0x0], $0xffff;
	v12 =	vadd.s32 v20, v14  }
0x102: {  	vm13 =	veq.s32 v13, v8;
	v28 =	vsel vm12, $0x1, v1;
	v29 =	vld.idx.msk [tilespmem:v23+s6+$0x0], $0xffff;
	v11 =	vadd.s32 v26, v12  }
0x103: {  	v30 =	vsel vm13, $0x1, v1;
	v31 =	vld.idx.msk [tilespmem:v24+s6+$0x0], $0xffff;
	v11 =	vadd.s32 v28, v11;
	vm14 =	veq.s32 v61, v8  }
0x104: {  	v32 =	vld.idx.msk [tilespmem:v25+s6+$0x0], $0xffff;
	v11 =	vadd.s32 v30, v11;
	vm15 =	veq.s32 v63, v8;
	v18 =	vsel vm14, $0x1, v1  }
0x105: {  	v34 =	vld.idx.msk [tilespmem:v59+s6+$0x0], $0xffff;
	vm4 =	veq.s32 v21, v8;
	v17 =	vsel vm15, $0x1, v1;
	v11 =	vadd.s32 v18, v11  }
0x106: {  	vm5 =	veq.s32 v27, v8;
	v33 =	vsel vm4, $0x1, v1;
	v11 =	vadd.s32 v17, v11  }
0x107: {  	v36 =	vld [tilespmem:$0x1E110];
	vm6 =	veq.s32 v29, v8;
	v35 =	vsel vm5, $0x1, v1;
	v11 =	vadd.s32 v33, v11  }
0x108: {  	vm7 =	veq.s32 v31, v8;
	v13 =	vsel vm6, $0x1, v1;
	v11 =	vadd.s32 v35, v11  }
0x109: {  	vm8 =	veq.s32 v32, v8;
	v37 =	vsel vm7, $0x1, v1;
	v11 =	vadd.s32 v13, v11  }
0x10a: {  	vm10 =	veq.s32 v34, v8;
	v39 =	vsel vm8, $0x1, v1;
	v11 =	vadd.s32 v37, v11  }
0x10b: {  	vm9 =	vgt.s32 v10, $0x240;
	v40 =	vsel vm10, $0x1, v1;
	v10 =	vadd.s32 v39, v11  }
0x10c: {  	v9 =	vsel vm9, v9, v38;
	v12 =	vmax.f32 v36, $1.000000010e-07;
	v10 =	vadd.s32 v40, v10  }
0x10d: {  	v41 =	vand.u32 $0x7FFFFF, v9;
	v12 =	vmin.f32 v12, $9.999998800e-01;
	v10 =	vmul.u32 $0xA, v10  }
0x10e: {  	v42 =	vor.u32 $0x3F800000, v41;
	v43 =	vsub.f32 $1.000000000e+00, v12  }
0x10f: {  	v13 =	vmul.f32 $5.000000000e-01, v42;
	vm12 =	vgt.s32 v10, $0x240  }
0x110: {  	vm11 =	vgt.f32 v42, $1.414213540e+00;
	v12 =	vsel vm12, v12, v43  }
0x111: {  	v11 =	vsel vm11, v13, v42;
	v45 =	vand.u32 $0x7FFFFF, v12  }
0x112: {  	v44 =	vadd.f32 $1.000000000e+00, v11;
	v46 =	vor.u32 $0x3F800000, v45  }
0x113: {  	v13 =	vmul.f32 $5.000000000e-01, v46  }
0x114: {  	(erf) = vrcp.f32 v44;
	vm13 =	vgt.f32 v46, $1.414213540e+00  }
0x115: {  	v10 =	vsel vm13, v13, v46  }
0x116: {  	v13 =	vadd.f32 $1.000000000e+00, v10;
	_ =	sdelay $0x1  }
0x117: {  	(erf) = vrcp.f32 v13;
	_ =	sdelay $0x3  }
0x118: {  	v11 =	vadd.f32 $-1.000000000e+00, v11  }
0x119: {  	v47 =	vpop (erf)  }
0x11a: {  	v11 =	vmul.f32 v47, v11;
	_ =	sdelay $0x1  }
0x11b: {  	v10 =	vadd.f32 $-1.000000000e+00, v10;
	v13 =	vmul.f32 v11, v11  }
0x11c: {  	v49 =	vpop (erf)  }
0x11d: {  	v48 =	vmul.f32 $1.111111120e-01, v13;
	v10 =	vmul.f32 v49, v10;
	_ =	sdelay $0x1  }
0x11e: {  	v14 =	vadd.f32 $1.428571490e-01, v48;
	v15 =	vmul.f32 v10, v10;
	_ =	sdelay $0x1  }
0x11f: {  	v14 =	vmul.f32 v14, v13;
	v50 =	vmul.f32 $1.111111120e-01, v15;
	_ =	sdelay $0x1  }
0x120: {  	v14 =	vadd.f32 $2.000000030e-01, v14;
	v16 =	vadd.f32 $1.428571490e-01, v50;
	_ =	sdelay $0x1  }
0x121: {  	v14 =	vmul.f32 v14, v13;
	v16 =	vmul.f32 v16, v15  }
0x122: {  	v9 =	vshra.s32 v9, $0x17  }
0x123: {  	v51 =	vsel vm11, $0x1, v1;
	v14 =	vadd.f32 $3.333333430e-01, v14;
	v52 =	vadd.f32 $2.000000030e-01, v16  }
0x124: {  	v9 =	vadd.s32 v51, v9  }
0x125: {  	v9 =	vadd.s32 $0xFFFFFF81, v9;
	v13 =	vmul.f32 v14, v13;
	v14 =	vmul.f32 v52, v15  }
0x126: {  	v9 =	vcvt.s32.f32 v9;
	v12 =	vshra.s32 v12, $0x17;
	v54 =	vsel vm13, $0x1, v1  }
0x127: {  	v55 =	vadd.s32 v54, v12;
	v53 =	vadd.f32 $3.333333430e-01, v14  }
0x128: {  	v9 =	vmul.f32 $6.931471820e-01, v9;
	vm14 =	vgt.s32 v6, $0xFFFFFFFF;
	v6 =	vadd.s32 $0xFFFFFF81, v55  }
0x129: {  	v58 =	vld [tilespmem:$0x1E190];
	v11 =	vadd.f32 v11, v11;
	v13 =	vadd.f32 $1.000000000e+00, v13;
	v56 =	vmul.f32 v53, v15  }
0x12a: {  	vm15 =	vgt.s32 v8, $0xFFFFFFFF;
	v57 =	vsel vm14, $0x3F800000, v1;
	v6 =	vcvt.s32.f32 v6  }
0x12b: {  	v10 =	vadd.f32 v10, v10;
	v11 =	vmul.f32 v13, v11;
	v12 =	vadd.f32 $1.000000000e+00, v56  }
0x12c: {  	v60 =	vsel vm15, $0x3F800000, v1;
	v7 =	vmul.f32 v57, v7;
	v59 =	vsub.f32 $1.000000000e+00, v57  }
0x12d: {  	v6 =	vmul.f32 $6.931471820e-01, v6;
	v9 =	vadd.f32 v11, v9;
	v10 =	vmul.f32 v12, v10  }
0x12e: {  	v61 =	vmul.f32 v60, v58;
	v8 =	vmul.f32 v59, v0;
	v11 =	vsub.f32 $1.000000000e+00, v60  }
0x12f: {  	v7 =	vmul.f32 v7, v0;
	v9 =	vsub.f32 $0.0e+00, v9;
	v6 =	vadd.f32 v10, v6  }
0x130: {  	v2 =	vadd.f32 v8, v2;
	v11 =	vmul.f32 v11, v0  }
0x131: {  	v62 =	vmul.f32 v9, v7;
	v10 =	vmul.f32 v61, v0;
	v6 =	vsub.f32 $0.0e+00, v6  }
0x132: {  	v4 =	vadd.f32 v7, v4;
	v9 =	vmul.f32 v9, v8  }
0x133: {  	v2 =	vadd.f32 v11, v2;
	v5 =	vadd.f32 v62, v5;
	v63 =	vmul.f32 v6, v10  }
0x134: {  	v3 =	vadd.f32 v9, v3;
	v4 =	vadd.f32 v10, v4;
	v6 =	vmul.f32 v6, v11  }
0x135: {  	[tilespmem:$0x1E380] =	vst v2;
	v5 =	vadd.f32 v63, v5  }
0x136: {  	[tilespmem:$0x1E280] =	vst v4;
	v3 =	vadd.f32 v6, v3  }
0x137: {  	[tilespmem:$0x1E200] =	vst v5  }
0x138: {  	[tilespmem:$0x1E300] =	vst v3  }
0x139: {  	[hbm4b:s15+s6] =	stream.linear.scatter [tilespmem:s31], [sflag:$0x3], $0x80, $0x38;
	[tilespmem:$0x1E400] =	vst v63  }
0x13a: {  	_ =	swait.ge [sflag:s24], $0x80  }
0x13b: {  	[sflag:s24] =	ssyncset.done $0x0  }
0x13c: {  	[sflag:s24] =	ssyncadd.s32 $0xFFFFFF80  }
0x13d: {  	[hbm4b:s17+s6] =	stream.linear.scatter [tilespmem:s4], [sflag:$0x3], $0x80, $0x38;
	[tilespmem:$0x1E400] =	vst v63  }
0x13e: {  	_ =	swait.ge [sflag:s24], $0x80  }
0x13f: {  	[sflag:s24] =	ssyncset.done $0x0  }
0x140: {  	[sflag:s24] =	ssyncadd.s32 $0xFFFFFF80  }
0x141: {  	[hbm4b:s18+s6] =	stream.linear.scatter [tilespmem:s2], [sflag:$0x3], $0x80, $0x38;
	[tilespmem:$0x1E400] =	vst v63  }
0x142: {  	s5 =	sadd.s32 $0x1, s5;
	_ =	swait.ge [sflag:s24], $0x80  }
0x143: {  	p1 =	sne.s32 s5, s20;
	[sflag:s24] =	ssyncset.done $0x0  }
.Ltmp6:
0x144: {  	[sflag:s24] =	ssyncadd.s32 $0xFFFFFF80;
	(pc) =	sbr.rel @p1 .LBB2_1-.Ltmp6, $4  }
0x145: {  	[hbm4b:s19+s6] =	stream.linear.scatter [tilespmem:s1], [sflag:$0x3], $0x80, $0x38;
	[tilespmem:$0x1E400] =	vst v63  }
0x146: {  	_ =	swait.ge [sflag:s24], $0x80  }
0x147: {  	[sflag:s24] =	ssyncset.done $0x0  }
0x148: {  	[sflag:s24] =	ssyncadd.s32 $0xFFFFFF80  }
0x149: {  	_ =	sfence.sel $0x180000  }
0x14a: {  	[bflag:$0x0] =	sbarrier.arrive $0xFFFF  }
0x14b: {  	_ =	strace $0x90000047  }
0x14c: {  	s0 =	stileid.u32;
	[bflag:$0x2] =	sbarrier.arrive $0xFFFF  }
0x14d: {  	p0 =	sne.s32 s0, $0x0;
	s0 =	rddreg [dreg:$0x7]  }
0x14e: {  	s0 =	sadd.s32 @!p0 $0x100000, s0  }
0x14f: {  	[sflag:s0] =	ssyncadd.tile.s32 @!p0 $0x1;
	_ =	shalt  }
.Lfunc_end2:
_tile_overlayer_lowered:
.L_overlay_start_2:
0x150: {  	(tag) =	ssettag $0x2  }
0x151: {  	s0 =	rddreg [dreg:$0x0];
	s2 =	stileid.u32  }
0x152: {  	s1 =	rddreg [dreg:$0x1];
	p0 =	sne.s32 s2, $0x0  }
0x153: {  	s3 =	rddreg [dreg:$0x2];
	[bflag:$0x3] =	sbarrier.arrive $0xFFFF;
	s2 =	simm.s32 @!p0 $0x1C03  }
0x154: {  	[timem:s3], [sflag:s2] =	dma.local @!p0 [hbm:s0], s1  }
0x155: {  	s0 =	simm.s32 @!p0 $0x3  }
0x156: {  	_ =	swait.ge @!p0 [sflag:s0], s1  }
0x157: {  	s1 =	ssub.s32 @!p0 $0x0, s1;
	[sflag:s0] =	ssyncset.done @!p0 $0x0  }
0x158: {  	[sflag:s0] =	ssyncadd.s32 @!p0 s1  }
0x159: {  	[bflag:$0x3] =	sbarrier.arrive $0xFFFF  }
0x15a: {  	_ =	shalt  }

</sc_bundles>
